<compile_context>
chip_gen: v7x
topology: tpu7x:2x2x1
jax: 0.10.2.dev20260603
libtpu: 0.0.44.dev20260713+nightly
codegen_flags: <defaults>
</compile_context>

<pallas_src>
import functools

import jax
import jax.numpy as jnp
from jax import lax
from jax.experimental import pallas as pl
from jax.experimental.pallas import tpu as pltpu
from jax.experimental.pallas import tpu_sc as plsc

BATCH = 16384
EMBED_DIM = 32
NROWS = 1000000
PACK = 4
PROWS = NROWS // PACK
L = 16
NC = 2
NS = 16
NW = NC * NS
BPW = BATCH // NW
CHUNK = 128
NCHUNK = BPW // CHUNK
NBUF = 2
NG = CHUNK // L


def _mesh():
    return plsc.VectorSubcoreMesh(core_axis_name="c", subcore_axis_name="s")


@functools.partial(
    pl.kernel,
    out_type=jax.ShapeDtypeStruct((BATCH,), jnp.float32),
    mesh=_mesh(),
    scratch_types=[
        pltpu.VMEM((BPW,), jnp.int32),
        pltpu.VMEM((BPW,), jnp.int32),
        pltpu.VMEM((BPW,), jnp.int32),
        pltpu.VMEM((BPW,), jnp.int32),
        pltpu.VMEM((BPW,), jnp.int32),
        pltpu.VMEM((BPW,), jnp.int32),
        pltpu.VMEM((NBUF, CHUNK, 128), jnp.float32),
        pltpu.VMEM((NBUF, CHUNK, 128), jnp.float32),
        pltpu.VMEM((2 * EMBED_DIM, L), jnp.float32),
        pltpu.VMEM((L,), jnp.float32),
        pltpu.VMEM((BPW,), jnp.float32),
        pltpu.SemaphoreType.DMA,
        pltpu.SemaphoreType.DMA,
    ],
    compiler_params=pltpu.CompilerParams(needs_layout_passes=False),
)
def _sc_kernel(users_hbm, movies_hbm, ut_hbm, mt_hbm, wb_hbm, bv_hbm, out_hbm,
               uidx_v, midx_v, ush_v, msh_v, uoff_v, moff_v,
               urows_v, mrows_v, wb_v, bv_v, acc_v, usem, msem):
    wid = lax.axis_index("s") * NC + lax.axis_index("c")
    base = wid * BPW

    pltpu.sync_copy(users_hbm.at[pl.ds(base, BPW)], uidx_v)
    pltpu.sync_copy(movies_hbm.at[pl.ds(base, BPW)], midx_v)
    pltpu.sync_copy(wb_hbm, wb_v)
    pltpu.sync_copy(bv_hbm, bv_v)

    def prep(k, _):
        sl = pl.ds(k * L, L)
        uv = uidx_v[sl]
        mv = midx_v[sl]
        ush_v[sl] = uv >> 2
        msh_v[sl] = mv >> 2
        uoff_v[sl] = (uv & 3) * EMBED_DIM
        moff_v[sl] = (mv & 3) * EMBED_DIM
        return 0

    lax.fori_loop(0, BPW // L, prep, 0, unroll=4)

    def fire(j):
        slot = j % NBUF
        sl = pl.ds(j * CHUNK, CHUNK)
        uc = pltpu.async_copy(ut_hbm.at[ush_v.at[sl]], urows_v.at[slot], usem)
        mc = pltpu.async_copy(mt_hbm.at[msh_v.at[sl]], mrows_v.at[slot], msem)
        return uc, mc

    copies = [fire(0), fire(1)]

    bias = bv_v[...]
    lanes = lax.iota(jnp.int32, L)
    slotv = [jnp.full((L,), s, jnp.int32) for s in range(NBUF)]
    ivecs = [lanes + k * L for k in range(NG)]

    for j in range(NCHUNK):
        slot = j % NBUF
        uc, mc = copies[j]
        uc.wait()
        mc.wait()

        uoffs = [uoff_v[pl.ds(j * CHUNK + k * L, L)] for k in range(NG)]
        moffs = [moff_v[pl.ds(j * CHUNK + k * L, L)] for k in range(NG)]

        def col(c, accs, slot=slot, uoffs=uoffs, moffs=moffs):
            wu = wb_v[c, pl.ds(0, L)]
            wm = wb_v[c + EMBED_DIM, pl.ds(0, L)]
            out = []
            for k in range(NG):
                u = plsc.load_gather(urows_v, [slotv[slot], ivecs[k], uoffs[k] + c])
                m = plsc.load_gather(mrows_v, [slotv[slot], ivecs[k], moffs[k] + c])
                out.append(accs[k] + u * wu + m * wm)
            return tuple(out)

        accs = lax.fori_loop(0, EMBED_DIM, col, tuple([bias] * NG))
        for k in range(NG):
            acc_v[pl.ds(j * CHUNK + k * L, L)] = accs[k]
        if j + NBUF < NCHUNK:
            copies.append(fire(j + NBUF))

    pltpu.sync_copy(acc_v, out_hbm.at[pl.ds(base, BPW)])


def kernel(users, movies, user_table, movie_table, W, b):
    ut = user_table.reshape(PROWS, PACK * EMBED_DIM)
    mt = movie_table.reshape(PROWS, PACK * EMBED_DIM)
    w_flat = W.reshape(2 * EMBED_DIM).astype(jnp.float32)
    wb = jnp.broadcast_to(w_flat[:, None], (2 * EMBED_DIM, L))
    bv = jnp.full((L,), b[0], dtype=jnp.float32)
    out = _sc_kernel(users.astype(jnp.int32), movies.astype(jnp.int32),
                     ut, mt, wb, bv)
    return out.reshape(BATCH, 1)

# --- scband reference (transcript-rebuilt; emitter-appended) ---
"""Pipeline reference for scband-my-next-movie-net-12773232738966 (READ-ONLY COPY).

The authoritative reference and input builder live on the scoring server;
editing this copy changes nothing except your own understanding.
"""

import jax, jax.numpy as jnp
import numpy as np

NUM_USERS = 1000000
NUM_MOVIES = 1000000
EMBED_DIM = 32
BATCH = 16384

def setup_inputs(seed: int = 0) -> dict:
    key = jax.random.key(seed)
    k1, k2, k3, k4, k5, k6 = jax.random.split(key, 6)
    users = jax.random.randint(k1, (BATCH,), 0, NUM_USERS, dtype=jnp.int64) if jax.config.jax_enable_x64 else jax.random.randint(k1, (BATCH,), 0, NUM_USERS, dtype=jnp.int32)
    movies = jax.random.randint(k2, (BATCH,), 0, NUM_MOVIES, dtype=jnp.int32)
    user_table = jax.random.normal(k3, (NUM_USERS, EMBED_DIM), dtype=jnp.float32)
    movie_table = jax.random.normal(k4, (NUM_MOVIES, EMBED_DIM), dtype=jnp.float32)
    W = jax.random.normal(k5, (1, 2 * EMBED_DIM), dtype=jnp.float32) * (1.0 / np.sqrt(2 * EMBED_DIM))
    b = jax.random.normal(k6, (1,), dtype=jnp.float32) * 0.01
    return {"users": users, "movies": movies, "user_table": user_table, "movie_table": movie_table, "W": W, "b": b}

def reference(users, movies, user_table, movie_table, W, b):
    user_embeds = jnp.take(user_table, users, axis=0)
    movie_embeds = jnp.take(movie_table, movies, axis=0)
    output = jnp.concatenate([user_embeds, movie_embeds], axis=1)
    output = output @ W.T + b
    return output

if __name__ == "__main__":
    import jax
    _d = setup_inputs()
    print(jax.jit(kernel)(*tuple(_d.values())))

</pallas_src>

<mosaic_0001>
#map = affine_map<(d0, d1) -> (0)>
#map1 = affine_map<(d0, d1) -> (0, 0)>
module attributes {stable_mosaic.version = 14 : i64} {
  func.func @_sc_kernel(%arg0: i32, %arg1: i32, %arg2: memref<16384xi32, #tpu.memory_space<hbm>>, %arg3: memref<16384xi32, #tpu.memory_space<hbm>>, %arg4: memref<250000x128xf32, #tpu.memory_space<hbm>>, %arg5: memref<250000x128xf32, #tpu.memory_space<hbm>>, %arg6: memref<64x16xf32, #tpu.memory_space<hbm>>, %arg7: memref<16xf32, #tpu.memory_space<hbm>>, %arg8: memref<16384xf32, #tpu.memory_space<hbm>>, %arg9: memref<512xi32, #tpu.memory_space<vmem>>, %arg10: memref<512xi32, #tpu.memory_space<vmem>>, %arg11: memref<512xi32, #tpu.memory_space<vmem>>, %arg12: memref<512xi32, #tpu.memory_space<vmem>>, %arg13: memref<512xi32, #tpu.memory_space<vmem>>, %arg14: memref<512xi32, #tpu.memory_space<vmem>>, %arg15: memref<2x128x128xf32, #tpu.memory_space<vmem>>, %arg16: memref<2x128x128xf32, #tpu.memory_space<vmem>>, %arg17: memref<64x16xf32, #tpu.memory_space<vmem>>, %arg18: memref<16xf32, #tpu.memory_space<vmem>>, %arg19: memref<512xf32, #tpu.memory_space<vmem>>, %arg20: memref<!tpu.dma_semaphore, #tpu.memory_space<semaphore_mem>>, %arg21: memref<!tpu.dma_semaphore, #tpu.memory_space<semaphore_mem>>) attributes {dimension_semantics = [#tpu.dimension_semantics<core_parallel>, #tpu.dimension_semantics<subcore_parallel>], iteration_bounds = array<i64: 2, 16>, scalar_prefetch = 0 : i64, scratch_operands = 13 : i64, tpu.core_type = #tpu.core_type<sc_vector_subcore>, window_params = [{transform_indices = #map}, {transform_indices = #map}, {transform_indices = #map1}, {transform_indices = #map1}, {transform_indices = #map1}, {transform_indices = #map}, {transform_indices = #map}]} {
    %mul3A = arith.constant 2 : i32
    %mul3A_0 = arith.muli %arg1, %mul3A : i32
    %add3A = arith.addi %mul3A_0, %arg0 : i32
    %mul3A_1 = arith.constant 512 : i32
    %mul3A_2 = arith.muli %add3A, %mul3A_1 : i32
    "tpu.region"() ({
      %run_scoped3A = tpu.sem_alloc : memref<!tpu.dma_semaphore, #tpu.memory_space<semaphore_mem>>
      %dma_start3A_410 = tpu.memref_slice %arg2[%mul3A_2] : memref<16384xi32, #tpu.memory_space<hbm>> -> memref<512xi32, #tpu.memory_space<hbm>>
      %dma_start3A_411 = tpu.memref_slice %arg2[%mul3A_2] : memref<16384xi32, #tpu.memory_space<hbm>> -> memref<512xi32, #tpu.memory_space<hbm>>
      tpu.enqueue_dma source(%dma_start3A_411 : memref<512xi32, #tpu.memory_space<hbm>>) target(%arg9 : memref<512xi32, #tpu.memory_space<vmem>>) target_semaphore(%run_scoped3A : memref<!tpu.dma_semaphore, #tpu.memory_space<semaphore_mem>>)
      %dma_wait3A_412 = tpu.memref_slice %arg2[%mul3A_2] : memref<16384xi32, #tpu.memory_space<hbm>> -> memref<512xi32, #tpu.memory_space<hbm>>
      %dma_wait3A_413 = tpu.memref_slice %arg2[%mul3A_2] : memref<16384xi32, #tpu.memory_space<hbm>> -> memref<512xi32, #tpu.memory_space<hbm>>
      tpu.wait_dma2 semaphore(%run_scoped3A : memref<!tpu.dma_semaphore, #tpu.memory_space<semaphore_mem>>) src(%dma_wait3A_413 : memref<512xi32, #tpu.memory_space<hbm>>) dst(%arg9 : memref<512xi32, #tpu.memory_space<vmem>>)
      tpu.yield
    }) : () -> ()
    "tpu.region"() ({
      %run_scoped3A = tpu.sem_alloc : memref<!tpu.dma_semaphore, #tpu.memory_space<semaphore_mem>>
      %dma_start3A_410 = tpu.memref_slice %arg3[%mul3A_2] : memref<16384xi32, #tpu.memory_space<hbm>> -> memref<512xi32, #tpu.memory_space<hbm>>
      %dma_start3A_411 = tpu.memref_slice %arg3[%mul3A_2] : memref<16384xi32, #tpu.memory_space<hbm>> -> memref<512xi32, #tpu.memory_space<hbm>>
      tpu.enqueue_dma source(%dma_start3A_411 : memref<512xi32, #tpu.memory_space<hbm>>) target(%arg10 : memref<512xi32, #tpu.memory_space<vmem>>) target_semaphore(%run_scoped3A : memref<!tpu.dma_semaphore, #tpu.memory_space<semaphore_mem>>)
      %dma_wait3A_412 = tpu.memref_slice %arg3[%mul3A_2] : memref<16384xi32, #tpu.memory_space<hbm>> -> memref<512xi32, #tpu.memory_space<hbm>>
      %dma_wait3A_413 = tpu.memref_slice %arg3[%mul3A_2] : memref<16384xi32, #tpu.memory_space<hbm>> -> memref<512xi32, #tpu.memory_space<hbm>>
      tpu.wait_dma2 semaphore(%run_scoped3A : memref<!tpu.dma_semaphore, #tpu.memory_space<semaphore_mem>>) src(%dma_wait3A_413 : memref<512xi32, #tpu.memory_space<hbm>>) dst(%arg10 : memref<512xi32, #tpu.memory_space<vmem>>)
      tpu.yield
    }) : () -> ()
    "tpu.region"() ({
      %run_scoped3A = tpu.sem_alloc : memref<!tpu.dma_semaphore, #tpu.memory_space<semaphore_mem>>
      tpu.enqueue_dma source(%arg6 : memref<64x16xf32, #tpu.memory_space<hbm>>) target(%arg17 : memref<64x16xf32, #tpu.memory_space<vmem>>) target_semaphore(%run_scoped3A : memref<!tpu.dma_semaphore, #tpu.memory_space<semaphore_mem>>)
      tpu.wait_dma2 semaphore(%run_scoped3A : memref<!tpu.dma_semaphore, #tpu.memory_space<semaphore_mem>>) src(%arg6 : memref<64x16xf32, #tpu.memory_space<hbm>>) dst(%arg17 : memref<64x16xf32, #tpu.memory_space<vmem>>)
      tpu.yield
    }) : () -> ()
    "tpu.region"() ({
      %run_scoped3A = tpu.sem_alloc : memref<!tpu.dma_semaphore, #tpu.memory_space<semaphore_mem>>
      tpu.enqueue_dma source(%arg7 : memref<16xf32, #tpu.memory_space<hbm>>) target(%arg18 : memref<16xf32, #tpu.memory_space<vmem>>) target_semaphore(%run_scoped3A : memref<!tpu.dma_semaphore, #tpu.memory_space<semaphore_mem>>)
      tpu.wait_dma2 semaphore(%run_scoped3A : memref<!tpu.dma_semaphore, #tpu.memory_space<semaphore_mem>>) src(%arg7 : memref<16xf32, #tpu.memory_space<hbm>>) dst(%arg18 : memref<16xf32, #tpu.memory_space<vmem>>)
      tpu.yield
    }) : () -> ()
    %scan3A = arith.constant 0 : i32
    %scan3A_3 = arith.constant 0 : i32
    %scan3A_4 = arith.constant 32 : i32
    %scan3A_5 = arith.addi %scan3A_3, %scan3A_4 : i32
    %scan3A_6 = arith.constant 4 : i32
    %scan3A_7 = scf.for %scan3A_410 = %scan3A_3 to %scan3A_5 step %scan3A_6 iter_args(%scan3A_411 = %scan3A) -> (i32)  : i32 {
      %mul3A_412 = arith.constant 16 : i32
      %mul3A_413 = arith.muli %scan3A_410, %mul3A_412 : i32
      %get3A_414 = arith.index_cast %mul3A_413 : i32 to index
      %get3A_415 = tpu.vector_load %arg9[%get3A_414] {strides = array<i32>} : memref<512xi32, #tpu.memory_space<vmem>>, vector<16xi32>,
      %get3A_416 = arith.index_cast %mul3A_413 : i32 to index
      %get3A_417 = tpu.vector_load %arg10[%get3A_416] {strides = array<i32>} : memref<512xi32, #tpu.memory_space<vmem>>, vector<16xi32>,
      %shift_right_arithmetic3A = arith.constant 2 : i32
      %shift_right_arithmetic3A_418 = vector.broadcast %shift_right_arithmetic3A : i32 to vector<16xi32>
      %shift_right_arithmetic3A_419 = arith.shrsi %get3A_415, %shift_right_arithmetic3A_418 : vector<16xi32>
      %swap3A_420 = arith.index_cast %mul3A_413 : i32 to index
      %swap3A_421 = tpu.vector_load %arg11[%swap3A_420] {strides = array<i32>} : memref<512xi32, #tpu.memory_space<vmem>>, vector<16xi32>,
      tpu.vector_store %arg11[%swap3A_420], %shift_right_arithmetic3A_419 {strides = array<i32>} : memref<512xi32, #tpu.memory_space<vmem>>, vector<16xi32>,
      %shift_right_arithmetic3A_422 = arith.constant 2 : i32
      %shift_right_arithmetic3A_423 = vector.broadcast %shift_right_arithmetic3A_422 : i32 to vector<16xi32>
      %shift_right_arithmetic3A_424 = arith.shrsi %get3A_417, %shift_right_arithmetic3A_423 : vector<16xi32>
      %swap3A_425 = arith.index_cast %mul3A_413 : i32 to index
      %swap3A_426 = tpu.vector_load %arg12[%swap3A_425] {strides = array<i32>} : memref<512xi32, #tpu.memory_space<vmem>>, vector<16xi32>,
      tpu.vector_store %arg12[%swap3A_425], %shift_right_arithmetic3A_424 {strides = array<i32>} : memref<512xi32, #tpu.memory_space<vmem>>, vector<16xi32>,
      %and3A = arith.constant 3 : i32
      %and3A_427 = vector.broadcast %and3A : i32 to vector<16xi32>
      %and3A_428 = arith.andi %get3A_415, %and3A_427 : vector<16xi32>
      %mul3A_429 = arith.constant 32 : i32
      %mul3A_430 = vector.broadcast %mul3A_429 : i32 to vector<16xi32>
      %mul3A_431 = arith.muli %and3A_428, %mul3A_430 : vector<16xi32>
      %swap3A_432 = arith.index_cast %mul3A_413 : i32 to index
      %swap3A_433 = tpu.vector_load %arg13[%swap3A_432] {strides = array<i32>} : memref<512xi32, #tpu.memory_space<vmem>>, vector<16xi32>,
      tpu.vector_store %arg13[%swap3A_432], %mul3A_431 {strides = array<i32>} : memref<512xi32, #tpu.memory_space<vmem>>, vector<16xi32>,
      %and3A_434 = arith.constant 3 : i32
      %and3A_435 = vector.broadcast %and3A_434 : i32 to vector<16xi32>
      %and3A_436 = arith.andi %get3A_417, %and3A_435 : vector<16xi32>
      %mul3A_437 = arith.constant 32 : i32
      %mul3A_438 = vector.broadcast %mul3A_437 : i32 to vector<16xi32>
      %mul3A_439 = arith.muli %and3A_436, %mul3A_438 : vector<16xi32>
      %swap3A_440 = arith.index_cast %mul3A_413 : i32 to index
      %swap3A_441 = tpu.vector_load %arg14[%swap3A_440] {strides = array<i32>} : memref<512xi32, #tpu.memory_space<vmem>>, vector<16xi32>,
      tpu.vector_store %arg14[%swap3A_440], %mul3A_439 {strides = array<i32>} : memref<512xi32, #tpu.memory_space<vmem>>, vector<16xi32>,
      %scan3A_442 = arith.constant 0 : i32
      %scan3A_443 = arith.constant 1 : i32
      %scan3A_444 = arith.addi %scan3A_410, %scan3A_443 : i32
      %mul3A_445 = arith.constant 16 : i32
      %mul3A_446 = arith.muli %scan3A_444, %mul3A_445 : i32
      %get3A_447 = arith.index_cast %mul3A_446 : i32 to index
      %get3A_448 = tpu.vector_load %arg9[%get3A_447] {strides = array<i32>} : memref<512xi32, #tpu.memory_space<vmem>>, vector<16xi32>,
      %get3A_449 = arith.index_cast %mul3A_446 : i32 to index
      %get3A_450 = tpu.vector_load %arg10[%get3A_449] {strides = array<i32>} : memref<512xi32, #tpu.memory_space<vmem>>, vector<16xi32>,
      %shift_right_arithmetic3A_451 = arith.constant 2 : i32
      %shift_right_arithmetic3A_452 = vector.broadcast %shift_right_arithmetic3A_451 : i32 to vector<16xi32>
      %shift_right_arithmetic3A_453 = arith.shrsi %get3A_448, %shift_right_arithmetic3A_452 : vector<16xi32>
      %swap3A_454 = arith.index_cast %mul3A_446 : i32 to index
      %swap3A_455 = tpu.vector_load %arg11[%swap3A_454] {strides = array<i32>} : memref<512xi32, #tpu.memory_space<vmem>>, vector<16xi32>,
      tpu.vector_store %arg11[%swap3A_454], %shift_right_arithmetic3A_453 {strides = array<i32>} : memref<512xi32, #tpu.memory_space<vmem>>, vector<16xi32>,
      %shift_right_arithmetic3A_456 = arith.constant 2 : i32
      %shift_right_arithmetic3A_457 = vector.broadcast %shift_right_arithmetic3A_456 : i32 to vector<16xi32>
      %shift_right_arithmetic3A_458 = arith.shrsi %get3A_450, %shift_right_arithmetic3A_457 : vector<16xi32>
      %swap3A_459 = arith.index_cast %mul3A_446 : i32 to index
      %swap3A_460 = tpu.vector_load %arg12[%swap3A_459] {strides = array<i32>} : memref<512xi32, #tpu.memory_space<vmem>>, vector<16xi32>,
      tpu.vector_store %arg12[%swap3A_459], %shift_right_arithmetic3A_458 {strides = array<i32>} : memref<512xi32, #tpu.memory_space<vmem>>, vector<16xi32>,
      %and3A_461 = arith.constant 3 : i32
      %and3A_462 = vector.broadcast %and3A_461 : i32 to vector<16xi32>
      %and3A_463 = arith.andi %get3A_448, %and3A_462 : vector<16xi32>
      %mul3A_464 = arith.constant 32 : i32
      %mul3A_465 = vector.broadcast %mul3A_464 : i32 to vector<16xi32>
      %mul3A_466 = arith.muli %and3A_463, %mul3A_465 : vector<16xi32>
      %swap3A_467 = arith.index_cast %mul3A_446 : i32 to index
      %swap3A_468 = tpu.vector_load %arg13[%swap3A_467] {strides = array<i32>} : memref<512xi32, #tpu.memory_space<vmem>>, vector<16xi32>,
      tpu.vector_store %arg13[%swap3A_467], %mul3A_466 {strides = array<i32>} : memref<512xi32, #tpu.memory_space<vmem>>, vector<16xi32>,
      %and3A_469 = arith.constant 3 : i32
      %and3A_470 = vector.broadcast %and3A_469 : i32 to vector<16xi32>
      %and3A_471 = arith.andi %get3A_450, %and3A_470 : vector<16xi32>
      %mul3A_472 = arith.constant 32 : i32
      %mul3A_473 = vector.broadcast %mul3A_472 : i32 to vector<16xi32>
      %mul3A_474 = arith.muli %and3A_471, %mul3A_473 : vector<16xi32>
      %swap3A_475 = arith.index_cast %mul3A_446 : i32 to index
      %swap3A_476 = tpu.vector_load %arg14[%swap3A_475] {strides = array<i32>} : memref<512xi32, #tpu.memory_space<vmem>>, vector<16xi32>,
      tpu.vector_store %arg14[%swap3A_475], %mul3A_474 {strides = array<i32>} : memref<512xi32, #tpu.memory_space<vmem>>, vector<16xi32>,
      %scan3A_477 = arith.constant 0 : i32
      %scan3A_478 = arith.constant 2 : i32
      %scan3A_479 = arith.addi %scan3A_410, %scan3A_478 : i32
      %mul3A_480 = arith.constant 16 : i32
      %mul3A_481 = arith.muli %scan3A_479, %mul3A_480 : i32
      %get3A_482 = arith.index_cast %mul3A_481 : i32 to index
      %get3A_483 = tpu.vector_load %arg9[%get3A_482] {strides = array<i32>} : memref<512xi32, #tpu.memory_space<vmem>>, vector<16xi32>,
      %get3A_484 = arith.index_cast %mul3A_481 : i32 to index
      %get3A_485 = tpu.vector_load %arg10[%get3A_484] {strides = array<i32>} : memref<512xi32, #tpu.memory_space<vmem>>, vector<16xi32>,
      %shift_right_arithmetic3A_486 = arith.constant 2 : i32
      %shift_right_arithmetic3A_487 = vector.broadcast %shift_right_arithmetic3A_486 : i32 to vector<16xi32>
      %shift_right_arithmetic3A_488 = arith.shrsi %get3A_483, %shift_right_arithmetic3A_487 : vector<16xi32>
      %swap3A_489 = arith.index_cast %mul3A_481 : i32 to index
      %swap3A_490 = tpu.vector_load %arg11[%swap3A_489] {strides = array<i32>} : memref<512xi32, #tpu.memory_space<vmem>>, vector<16xi32>,
      tpu.vector_store %arg11[%swap3A_489], %shift_right_arithmetic3A_488 {strides = array<i32>} : memref<512xi32, #tpu.memory_space<vmem>>, vector<16xi32>,
      %shift_right_arithmetic3A_491 = arith.constant 2 : i32
      %shift_right_arithmetic3A_492 = vector.broadcast %shift_right_arithmetic3A_491 : i32 to vector<16xi32>
      %shift_right_arithmetic3A_493 = arith.shrsi %get3A_485, %shift_right_arithmetic3A_492 : vector<16xi32>
      %swap3A_494 = arith.index_cast %mul3A_481 : i32 to index
      %swap3A_495 = tpu.vector_load %arg12[%swap3A_494] {strides = array<i32>} : memref<512xi32, #tpu.memory_space<vmem>>, vector<16xi32>,
      tpu.vector_store %arg12[%swap3A_494], %shift_right_arithmetic3A_493 {strides = array<i32>} : memref<512xi32, #tpu.memory_space<vmem>>, vector<16xi32>,
      %and3A_496 = arith.constant 3 : i32
      %and3A_497 = vector.broadcast %and3A_496 : i32 to vector<16xi32>
      %and3A_498 = arith.andi %get3A_483, %and3A_497 : vector<16xi32>
      %mul3A_499 = arith.constant 32 : i32
      %mul3A_500 = vector.broadcast %mul3A_499 : i32 to vector<16xi32>
      %mul3A_501 = arith.muli %and3A_498, %mul3A_500 : vector<16xi32>
      %swap3A_502 = arith.index_cast %mul3A_481 : i32 to index
      %swap3A_503 = tpu.vector_load %arg13[%swap3A_502] {strides = array<i32>} : memref<512xi32, #tpu.memory_space<vmem>>, vector<16xi32>,
      tpu.vector_store %arg13[%swap3A_502], %mul3A_501 {strides = array<i32>} : memref<512xi32, #tpu.memory_space<vmem>>, vector<16xi32>,
      %and3A_504 = arith.constant 3 : i32
      %and3A_505 = vector.broadcast %and3A_504 : i32 to vector<16xi32>
      %and3A_506 = arith.andi %get3A_485, %and3A_505 : vector<16xi32>
      %mul3A_507 = arith.constant 32 : i32
      %mul3A_508 = vector.broadcast %mul3A_507 : i32 to vector<16xi32>
      %mul3A_509 = arith.muli %and3A_506, %mul3A_508 : vector<16xi32>
      %swap3A_510 = arith.index_cast %mul3A_481 : i32 to index
      %swap3A_511 = tpu.vector_load %arg14[%swap3A_510] {strides = array<i32>} : memref<512xi32, #tpu.memory_space<vmem>>, vector<16xi32>,
      tpu.vector_store %arg14[%swap3A_510], %mul3A_509 {strides = array<i32>} : memref<512xi32, #tpu.memory_space<vmem>>, vector<16xi32>,
      %scan3A_512 = arith.constant 0 : i32
      %scan3A_513 = arith.constant 3 : i32
      %scan3A_514 = arith.addi %scan3A_410, %scan3A_513 : i32
      %mul3A_515 = arith.constant 16 : i32
      %mul3A_516 = arith.muli %scan3A_514, %mul3A_515 : i32
      %get3A_517 = arith.index_cast %mul3A_516 : i32 to index
      %get3A_518 = tpu.vector_load %arg9[%get3A_517] {strides = array<i32>} : memref<512xi32, #tpu.memory_space<vmem>>, vector<16xi32>,
      %get3A_519 = arith.index_cast %mul3A_516 : i32 to index
      %get3A_520 = tpu.vector_load %arg10[%get3A_519] {strides = array<i32>} : memref<512xi32, #tpu.memory_space<vmem>>, vector<16xi32>,
      %shift_right_arithmetic3A_521 = arith.constant 2 : i32
      %shift_right_arithmetic3A_522 = vector.broadcast %shift_right_arithmetic3A_521 : i32 to vector<16xi32>
      %shift_right_arithmetic3A_523 = arith.shrsi %get3A_518, %shift_right_arithmetic3A_522 : vector<16xi32>
      %swap3A_524 = arith.index_cast %mul3A_516 : i32 to index
      %swap3A_525 = tpu.vector_load %arg11[%swap3A_524] {strides = array<i32>} : memref<512xi32, #tpu.memory_space<vmem>>, vector<16xi32>,
      tpu.vector_store %arg11[%swap3A_524], %shift_right_arithmetic3A_523 {strides = array<i32>} : memref<512xi32, #tpu.memory_space<vmem>>, vector<16xi32>,
      %shift_right_arithmetic3A_526 = arith.constant 2 : i32
      %shift_right_arithmetic3A_527 = vector.broadcast %shift_right_arithmetic3A_526 : i32 to vector<16xi32>
      %shift_right_arithmetic3A_528 = arith.shrsi %get3A_520, %shift_right_arithmetic3A_527 : vector<16xi32>
      %swap3A_529 = arith.index_cast %mul3A_516 : i32 to index
      %swap3A_530 = tpu.vector_load %arg12[%swap3A_529] {strides = array<i32>} : memref<512xi32, #tpu.memory_space<vmem>>, vector<16xi32>,
      tpu.vector_store %arg12[%swap3A_529], %shift_right_arithmetic3A_528 {strides = array<i32>} : memref<512xi32, #tpu.memory_space<vmem>>, vector<16xi32>,
      %and3A_531 = arith.constant 3 : i32
      %and3A_532 = vector.broadcast %and3A_531 : i32 to vector<16xi32>
      %and3A_533 = arith.andi %get3A_518, %and3A_532 : vector<16xi32>
      %mul3A_534 = arith.constant 32 : i32
      %mul3A_535 = vector.broadcast %mul3A_534 : i32 to vector<16xi32>
      %mul3A_536 = arith.muli %and3A_533, %mul3A_535 : vector<16xi32>
      %swap3A_537 = arith.index_cast %mul3A_516 : i32 to index
      %swap3A_538 = tpu.vector_load %arg13[%swap3A_537] {strides = array<i32>} : memref<512xi32, #tpu.memory_space<vmem>>, vector<16xi32>,
      tpu.vector_store %arg13[%swap3A_537], %mul3A_536 {strides = array<i32>} : memref<512xi32, #tpu.memory_space<vmem>>, vector<16xi32>,
      %and3A_539 = arith.constant 3 : i32
      %and3A_540 = vector.broadcast %and3A_539 : i32 to vector<16xi32>
      %and3A_541 = arith.andi %get3A_520, %and3A_540 : vector<16xi32>
      %mul3A_542 = arith.constant 32 : i32
      %mul3A_543 = vector.broadcast %mul3A_542 : i32 to vector<16xi32>
      %mul3A_544 = arith.muli %and3A_541, %mul3A_543 : vector<16xi32>
      %swap3A_545 = arith.index_cast %mul3A_516 : i32 to index
      %swap3A_546 = tpu.vector_load %arg14[%swap3A_545] {strides = array<i32>} : memref<512xi32, #tpu.memory_space<vmem>>, vector<16xi32>,
      tpu.vector_store %arg14[%swap3A_545], %mul3A_544 {strides = array<i32>} : memref<512xi32, #tpu.memory_space<vmem>>, vector<16xi32>,
      %scan3A_547 = arith.constant 0 : i32
      scf.yield %scan3A_547 : i32
    }
    %scan3A_8 = arith.constant 32 : i32
    %dma_start3A = arith.constant 0 : i32
    %dma_start3A_9 = arith.constant 0 : i32
    %dma_start3A_10 = arith.constant 0 : i32
    %dma_start3A_11 = tpu.memref_slice %arg15[%dma_start3A, %dma_start3A_9, %dma_start3A_10] : memref<2x128x128xf32, #tpu.memory_space<vmem>> -> memref<1x128x128xf32, #tpu.memory_space<vmem>>
    %dma_start3A_12 = tpu.memref_squeeze %dma_start3A_11 : memref<1x128x128xf32, #tpu.memory_space<vmem>> -> memref<128x128xf32, #tpu.memory_space<vmem>>
    %dma_start3A_13 = arith.constant 0 : i32
    %dma_start3A_14 = tpu.memref_slice %arg11[%dma_start3A_13] : memref<512xi32, #tpu.memory_space<vmem>> -> memref<128xi32, #tpu.memory_space<vmem>>
    %dma_start3A_15 = arith.constant 0 : i32
    %dma_start3A_16 = arith.constant 0 : i32
    %dma_start3A_17 = tpu.memref_slice %arg4[%dma_start3A_15, %dma_start3A_16] : memref<250000x128xf32, #tpu.memory_space<hbm>> -> memref<250000x128xf32, #tpu.memory_space<hbm>>
    tpu.enqueue_indirect_dma source(%dma_start3A_17 : memref<250000x128xf32, #tpu.memory_space<hbm>>) target(%dma_start3A_12 : memref<128x128xf32, #tpu.memory_space<vmem>>) offsets(%dma_start3A_14 : memref<128xi32, #tpu.memory_space<vmem>>) semaphore(%arg20 : memref<!tpu.dma_semaphore, #tpu.memory_space<semaphore_mem>>)
    %dma_start3A_18 = arith.constant 0 : i32
    %dma_start3A_19 = arith.constant 0 : i32
    %dma_start3A_20 = arith.constant 0 : i32
    %dma_start3A_21 = tpu.memref_slice %arg16[%dma_start3A_18, %dma_start3A_19, %dma_start3A_20] : memref<2x128x128xf32, #tpu.memory_space<vmem>> -> memref<1x128x128xf32, #tpu.memory_space<vmem>>
    %dma_start3A_22 = tpu.memref_squeeze %dma_start3A_21 : memref<1x128x128xf32, #tpu.memory_space<vmem>> -> memref<128x128xf32, #tpu.memory_space<vmem>>
    %dma_start3A_23 = arith.constant 0 : i32
    %dma_start3A_24 = tpu.memref_slice %arg12[%dma_start3A_23] : memref<512xi32, #tpu.memory_space<vmem>> -> memref<128xi32, #tpu.memory_space<vmem>>
    %dma_start3A_25 = arith.constant 0 : i32
    %dma_start3A_26 = arith.constant 0 : i32
    %dma_start3A_27 = tpu.memref_slice %arg5[%dma_start3A_25, %dma_start3A_26] : memref<250000x128xf32, #tpu.memory_space<hbm>> -> memref<250000x128xf32, #tpu.memory_space<hbm>>
    tpu.enqueue_indirect_dma source(%dma_start3A_27 : memref<250000x128xf32, #tpu.memory_space<hbm>>) target(%dma_start3A_22 : memref<128x128xf32, #tpu.memory_space<vmem>>) offsets(%dma_start3A_24 : memref<128xi32, #tpu.memory_space<vmem>>) semaphore(%arg21 : memref<!tpu.dma_semaphore, #tpu.memory_space<semaphore_mem>>)
    %dma_start3A_28 = arith.constant 1 : i32
    %dma_start3A_29 = arith.constant 0 : i32
    %dma_start3A_30 = arith.constant 0 : i32
    %dma_start3A_31 = tpu.memref_slice %arg15[%dma_start3A_28, %dma_start3A_29, %dma_start3A_30] : memref<2x128x128xf32, #tpu.memory_space<vmem>> -> memref<1x128x128xf32, #tpu.memory_space<vmem>>
    %dma_start3A_32 = tpu.memref_squeeze %dma_start3A_31 : memref<1x128x128xf32, #tpu.memory_space<vmem>> -> memref<128x128xf32, #tpu.memory_space<vmem>>
    %dma_start3A_33 = arith.constant 128 : i32
    %dma_start3A_34 = tpu.memref_slice %arg11[%dma_start3A_33] : memref<512xi32, #tpu.memory_space<vmem>> -> memref<128xi32, #tpu.memory_space<vmem>>
    %dma_start3A_35 = arith.constant 0 : i32
    %dma_start3A_36 = arith.constant 0 : i32
    %dma_start3A_37 = tpu.memref_slice %arg4[%dma_start3A_35, %dma_start3A_36] : memref<250000x128xf32, #tpu.memory_space<hbm>> -> memref<250000x128xf32, #tpu.memory_space<hbm>>
    tpu.enqueue_indirect_dma source(%dma_start3A_37 : memref<250000x128xf32, #tpu.memory_space<hbm>>) target(%dma_start3A_32 : memref<128x128xf32, #tpu.memory_space<vmem>>) offsets(%dma_start3A_34 : memref<128xi32, #tpu.memory_space<vmem>>) semaphore(%arg20 : memref<!tpu.dma_semaphore, #tpu.memory_space<semaphore_mem>>)
    %dma_start3A_38 = arith.constant 1 : i32
    %dma_start3A_39 = arith.constant 0 : i32
    %dma_start3A_40 = arith.constant 0 : i32
    %dma_start3A_41 = tpu.memref_slice %arg16[%dma_start3A_38, %dma_start3A_39, %dma_start3A_40] : memref<2x128x128xf32, #tpu.memory_space<vmem>> -> memref<1x128x128xf32, #tpu.memory_space<vmem>>
    %dma_start3A_42 = tpu.memref_squeeze %dma_start3A_41 : memref<1x128x128xf32, #tpu.memory_space<vmem>> -> memref<128x128xf32, #tpu.memory_space<vmem>>
    %dma_start3A_43 = arith.constant 128 : i32
    %dma_start3A_44 = tpu.memref_slice %arg12[%dma_start3A_43] : memref<512xi32, #tpu.memory_space<vmem>> -> memref<128xi32, #tpu.memory_space<vmem>>
    %dma_start3A_45 = arith.constant 0 : i32
    %dma_start3A_46 = arith.constant 0 : i32
    %dma_start3A_47 = tpu.memref_slice %arg5[%dma_start3A_45, %dma_start3A_46] : memref<250000x128xf32, #tpu.memory_space<hbm>> -> memref<250000x128xf32, #tpu.memory_space<hbm>>
    tpu.enqueue_indirect_dma source(%dma_start3A_47 : memref<250000x128xf32, #tpu.memory_space<hbm>>) target(%dma_start3A_42 : memref<128x128xf32, #tpu.memory_space<vmem>>) offsets(%dma_start3A_44 : memref<128xi32, #tpu.memory_space<vmem>>) semaphore(%arg21 : memref<!tpu.dma_semaphore, #tpu.memory_space<semaphore_mem>>)
    %get3A = arith.constant 0 : index
    %get3A_48 = tpu.vector_load %arg18[%get3A] {strides = array<i32>} : memref<16xf32, #tpu.memory_space<vmem>>, vector<16xf32>,
    %iota3A = tpu.iota {dimensions = array<i32: 0>} : vector<16xi32>
    %broadcast_in_dim3A = arith.constant 0 : i32
    %broadcast_in_dim3A_49 = vector.broadcast %broadcast_in_dim3A : i32 to vector<16xi32>
    %broadcast_in_dim3A_50 = arith.constant 1 : i32
    %broadcast_in_dim3A_51 = vector.broadcast %broadcast_in_dim3A_50 : i32 to vector<16xi32>
    %add3A_52 = arith.constant 0 : i32
    %add3A_53 = vector.broadcast %add3A_52 : i32 to vector<16xi32>
    %add3A_54 = arith.addi %iota3A, %add3A_53 : vector<16xi32>
    %add3A_55 = arith.constant 16 : i32
    %add3A_56 = vector.broadcast %add3A_55 : i32 to vector<16xi32>
    %add3A_57 = arith.addi %iota3A, %add3A_56 : vector<16xi32>
    %add3A_58 = arith.constant 32 : i32
    %add3A_59 = vector.broadcast %add3A_58 : i32 to vector<16xi32>
    %add3A_60 = arith.addi %iota3A, %add3A_59 : vector<16xi32>
    %add3A_61 = arith.constant 48 : i32
    %add3A_62 = vector.broadcast %add3A_61 : i32 to vector<16xi32>
    %add3A_63 = arith.addi %iota3A, %add3A_62 : vector<16xi32>
    %add3A_64 = arith.constant 64 : i32
    %add3A_65 = vector.broadcast %add3A_64 : i32 to vector<16xi32>
    %add3A_66 = arith.addi %iota3A, %add3A_65 : vector<16xi32>
    %add3A_67 = arith.constant 80 : i32
    %add3A_68 = vector.broadcast %add3A_67 : i32 to vector<16xi32>
    %add3A_69 = arith.addi %iota3A, %add3A_68 : vector<16xi32>
    %add3A_70 = arith.constant 96 : i32
    %add3A_71 = vector.broadcast %add3A_70 : i32 to vector<16xi32>
    %add3A_72 = arith.addi %iota3A, %add3A_71 : vector<16xi32>
    %add3A_73 = arith.constant 112 : i32
    %add3A_74 = vector.broadcast %add3A_73 : i32 to vector<16xi32>
    %add3A_75 = arith.addi %iota3A, %add3A_74 : vector<16xi32>
    %dma_wait3A = arith.constant 0 : i32
    %dma_wait3A_76 = arith.constant 0 : i32
    %dma_wait3A_77 = arith.constant 0 : i32
    %dma_wait3A_78 = tpu.memref_slice %arg15[%dma_wait3A, %dma_wait3A_76, %dma_wait3A_77] : memref<2x128x128xf32, #tpu.memory_space<vmem>> -> memref<1x128x128xf32, #tpu.memory_space<vmem>>
    %dma_wait3A_79 = tpu.memref_squeeze %dma_wait3A_78 : memref<1x128x128xf32, #tpu.memory_space<vmem>> -> memref<128x128xf32, #tpu.memory_space<vmem>>
    %dma_wait3A_80 = arith.constant 0 : i32
    %dma_wait3A_81 = tpu.memref_slice %arg11[%dma_wait3A_80] : memref<512xi32, #tpu.memory_space<vmem>> -> memref<128xi32, #tpu.memory_space<vmem>>
    %dma_wait3A_82 = arith.constant 0 : i32
    %dma_wait3A_83 = arith.constant 0 : i32
    %dma_wait3A_84 = tpu.memref_slice %arg4[%dma_wait3A_82, %dma_wait3A_83] : memref<250000x128xf32, #tpu.memory_space<hbm>> -> memref<250000x128xf32, #tpu.memory_space<hbm>>
    tpu.wait_indirect_dma semaphore(%arg20 : memref<!tpu.dma_semaphore, #tpu.memory_space<semaphore_mem>>) src(%dma_wait3A_84 : memref<250000x128xf32, #tpu.memory_space<hbm>>) dst(%dma_wait3A_79 : memref<128x128xf32, #tpu.memory_space<vmem>>)
    %dma_wait3A_85 = arith.constant 0 : i32
    %dma_wait3A_86 = arith.constant 0 : i32
    %dma_wait3A_87 = arith.constant 0 : i32
    %dma_wait3A_88 = tpu.memref_slice %arg16[%dma_wait3A_85, %dma_wait3A_86, %dma_wait3A_87] : memref<2x128x128xf32, #tpu.memory_space<vmem>> -> memref<1x128x128xf32, #tpu.memory_space<vmem>>
    %dma_wait3A_89 = tpu.memref_squeeze %dma_wait3A_88 : memref<1x128x128xf32, #tpu.memory_space<vmem>> -> memref<128x128xf32, #tpu.memory_space<vmem>>
    %dma_wait3A_90 = arith.constant 0 : i32
    %dma_wait3A_91 = tpu.memref_slice %arg12[%dma_wait3A_90] : memref<512xi32, #tpu.memory_space<vmem>> -> memref<128xi32, #tpu.memory_space<vmem>>
    %dma_wait3A_92 = arith.constant 0 : i32
    %dma_wait3A_93 = arith.constant 0 : i32
    %dma_wait3A_94 = tpu.memref_slice %arg5[%dma_wait3A_92, %dma_wait3A_93] : memref<250000x128xf32, #tpu.memory_space<hbm>> -> memref<250000x128xf32, #tpu.memory_space<hbm>>
    tpu.wait_indirect_dma semaphore(%arg21 : memref<!tpu.dma_semaphore, #tpu.memory_space<semaphore_mem>>) src(%dma_wait3A_94 : memref<250000x128xf32, #tpu.memory_space<hbm>>) dst(%dma_wait3A_89 : memref<128x128xf32, #tpu.memory_space<vmem>>)
    %get3A_95 = arith.constant 0 : index
    %get3A_96 = tpu.vector_load %arg13[%get3A_95] {strides = array<i32>} : memref<512xi32, #tpu.memory_space<vmem>>, vector<16xi32>,
    %get3A_97 = arith.constant 16 : index
    %get3A_98 = tpu.vector_load %arg13[%get3A_97] {strides = array<i32>} : memref<512xi32, #tpu.memory_space<vmem>>, vector<16xi32>,
    %get3A_99 = arith.constant 32 : index
    %get3A_100 = tpu.vector_load %arg13[%get3A_99] {strides = array<i32>} : memref<512xi32, #tpu.memory_space<vmem>>, vector<16xi32>,
    %get3A_101 = arith.constant 48 : index
    %get3A_102 = tpu.vector_load %arg13[%get3A_101] {strides = array<i32>} : memref<512xi32, #tpu.memory_space<vmem>>, vector<16xi32>,
    %get3A_103 = arith.constant 64 : index
    %get3A_104 = tpu.vector_load %arg13[%get3A_103] {strides = array<i32>} : memref<512xi32, #tpu.memory_space<vmem>>, vector<16xi32>,
    %get3A_105 = arith.constant 80 : index
    %get3A_106 = tpu.vector_load %arg13[%get3A_105] {strides = array<i32>} : memref<512xi32, #tpu.memory_space<vmem>>, vector<16xi32>,
    %get3A_107 = arith.constant 96 : index
    %get3A_108 = tpu.vector_load %arg13[%get3A_107] {strides = array<i32>} : memref<512xi32, #tpu.memory_space<vmem>>, vector<16xi32>,
    %get3A_109 = arith.constant 112 : index
    %get3A_110 = tpu.vector_load %arg13[%get3A_109] {strides = array<i32>} : memref<512xi32, #tpu.memory_space<vmem>>, vector<16xi32>,
    %get3A_111 = arith.constant 0 : index
    %get3A_112 = tpu.vector_load %arg14[%get3A_111] {strides = array<i32>} : memref<512xi32, #tpu.memory_space<vmem>>, vector<16xi32>,
    %get3A_113 = arith.constant 16 : index
    %get3A_114 = tpu.vector_load %arg14[%get3A_113] {strides = array<i32>} : memref<512xi32, #tpu.memory_space<vmem>>, vector<16xi32>,
    %get3A_115 = arith.constant 32 : index
    %get3A_116 = tpu.vector_load %arg14[%get3A_115] {strides = array<i32>} : memref<512xi32, #tpu.memory_space<vmem>>, vector<16xi32>,
    %get3A_117 = arith.constant 48 : index
    %get3A_118 = tpu.vector_load %arg14[%get3A_117] {strides = array<i32>} : memref<512xi32, #tpu.memory_space<vmem>>, vector<16xi32>,
    %get3A_119 = arith.constant 64 : index
    %get3A_120 = tpu.vector_load %arg14[%get3A_119] {strides = array<i32>} : memref<512xi32, #tpu.memory_space<vmem>>, vector<16xi32>,
    %get3A_121 = arith.constant 80 : index
    %get3A_122 = tpu.vector_load %arg14[%get3A_121] {strides = array<i32>} : memref<512xi32, #tpu.memory_space<vmem>>, vector<16xi32>,
    %get3A_123 = arith.constant 96 : index
    %get3A_124 = tpu.vector_load %arg14[%get3A_123] {strides = array<i32>} : memref<512xi32, #tpu.memory_space<vmem>>, vector<16xi32>,
    %get3A_125 = arith.constant 112 : index
    %get3A_126 = tpu.vector_load %arg14[%get3A_125] {strides = array<i32>} : memref<512xi32, #tpu.memory_space<vmem>>, vector<16xi32>,
    %scan3A_127 = arith.constant 0 : i32
    %scan3A_128 = arith.constant 32 : i32
    %scan3A_129 = arith.addi %scan3A_127, %scan3A_128 : i32
    %scan3A_130 = arith.constant 1 : i32
    %scan3A_131:8 = scf.for %scan3A_410 = %scan3A_127 to %scan3A_129 step %scan3A_130 iter_args(%scan3A_411 = %get3A_48, %scan3A_412 = %get3A_48, %scan3A_413 = %get3A_48, %scan3A_414 = %get3A_48, %scan3A_415 = %get3A_48, %scan3A_416 = %get3A_48, %scan3A_417 = %get3A_48, %scan3A_418 = %get3A_48) -> (vector<16xf32>, vector<16xf32>, vector<16xf32>, vector<16xf32>, vector<16xf32>, vector<16xf32>, vector<16xf32>, vector<16xf32>)  : i32 {
      %get3A_419 = arith.index_cast %scan3A_410 : i32 to index
      %get3A_420 = arith.constant 0 : index
      %get3A_421 = tpu.vector_load %arg17[%get3A_419, %get3A_420] {strides = array<i32>} : memref<64x16xf32, #tpu.memory_space<vmem>>, vector<16xf32>,
      %add3A_422 = arith.constant 32 : i32
      %add3A_423 = arith.addi %scan3A_410, %add3A_422 : i32
      %get3A_424 = arith.index_cast %add3A_423 : i32 to index
      %get3A_425 = arith.constant 0 : index
      %get3A_426 = tpu.vector_load %arg17[%get3A_424, %get3A_425] {strides = array<i32>} : memref<64x16xf32, #tpu.memory_space<vmem>>, vector<16xf32>,
      %add3A_427 = vector.broadcast %scan3A_410 : i32 to vector<16xi32>
      %add3A_428 = arith.addi %get3A_96, %add3A_427 : vector<16xi32>
      %gather3A = tpu.vector_load_idx %arg15[%broadcast_in_dim3A_49, %add3A_54, %add3A_428] : memref<2x128x128xf32, #tpu.memory_space<vmem>>[vector<16xi32>, vector<16xi32>, vector<16xi32>], vector<16xf32>,
      %add3A_429 = vector.broadcast %scan3A_410 : i32 to vector<16xi32>
      %add3A_430 = arith.addi %get3A_112, %add3A_429 : vector<16xi32>
      %gather3A_431 = tpu.vector_load_idx %arg16[%broadcast_in_dim3A_49, %add3A_54, %add3A_430] : memref<2x128x128xf32, #tpu.memory_space<vmem>>[vector<16xi32>, vector<16xi32>, vector<16xi32>], vector<16xf32>,
      %mul3A_432 = arith.mulf %gather3A, %get3A_421 : vector<16xf32>
      %add3A_433 = arith.addf %scan3A_411, %mul3A_432 : vector<16xf32>
      %mul3A_434 = arith.mulf %gather3A_431, %get3A_426 : vector<16xf32>
      %add3A_435 = arith.addf %add3A_433, %mul3A_434 : vector<16xf32>
      %add3A_436 = vector.broadcast %scan3A_410 : i32 to vector<16xi32>
      %add3A_437 = arith.addi %get3A_98, %add3A_436 : vector<16xi32>
      %gather3A_438 = tpu.vector_load_idx %arg15[%broadcast_in_dim3A_49, %add3A_57, %add3A_437] : memref<2x128x128xf32, #tpu.memory_space<vmem>>[vector<16xi32>, vector<16xi32>, vector<16xi32>], vector<16xf32>,
      %add3A_439 = vector.broadcast %scan3A_410 : i32 to vector<16xi32>
      %add3A_440 = arith.addi %get3A_114, %add3A_439 : vector<16xi32>
      %gather3A_441 = tpu.vector_load_idx %arg16[%broadcast_in_dim3A_49, %add3A_57, %add3A_440] : memref<2x128x128xf32, #tpu.memory_space<vmem>>[vector<16xi32>, vector<16xi32>, vector<16xi32>], vector<16xf32>,
      %mul3A_442 = arith.mulf %gather3A_438, %get3A_421 : vector<16xf32>
      %add3A_443 = arith.addf %scan3A_412, %mul3A_442 : vector<16xf32>
      %mul3A_444 = arith.mulf %gather3A_441, %get3A_426 : vector<16xf32>
      %add3A_445 = arith.addf %add3A_443, %mul3A_444 : vector<16xf32>
      %add3A_446 = vector.broadcast %scan3A_410 : i32 to vector<16xi32>
      %add3A_447 = arith.addi %get3A_100, %add3A_446 : vector<16xi32>
      %gather3A_448 = tpu.vector_load_idx %arg15[%broadcast_in_dim3A_49, %add3A_60, %add3A_447] : memref<2x128x128xf32, #tpu.memory_space<vmem>>[vector<16xi32>, vector<16xi32>, vector<16xi32>], vector<16xf32>,
      %add3A_449 = vector.broadcast %scan3A_410 : i32 to vector<16xi32>
      %add3A_450 = arith.addi %get3A_116, %add3A_449 : vector<16xi32>
      %gather3A_451 = tpu.vector_load_idx %arg16[%broadcast_in_dim3A_49, %add3A_60, %add3A_450] : memref<2x128x128xf32, #tpu.memory_space<vmem>>[vector<16xi32>, vector<16xi32>, vector<16xi32>], vector<16xf32>,
      %mul3A_452 = arith.mulf %gather3A_448, %get3A_421 : vector<16xf32>
      %add3A_453 = arith.addf %scan3A_413, %mul3A_452 : vector<16xf32>
      %mul3A_454 = arith.mulf %gather3A_451, %get3A_426 : vector<16xf32>
      %add3A_455 = arith.addf %add3A_453, %mul3A_454 : vector<16xf32>
      %add3A_456 = vector.broadcast %scan3A_410 : i32 to vector<16xi32>
      %add3A_457 = arith.addi %get3A_102, %add3A_456 : vector<16xi32>
      %gather3A_458 = tpu.vector_load_idx %arg15[%broadcast_in_dim3A_49, %add3A_63, %add3A_457] : memref<2x128x128xf32, #tpu.memory_space<vmem>>[vector<16xi32>, vector<16xi32>, vector<16xi32>], vector<16xf32>,
      %add3A_459 = vector.broadcast %scan3A_410 : i32 to vector<16xi32>
      %add3A_460 = arith.addi %get3A_118, %add3A_459 : vector<16xi32>
      %gather3A_461 = tpu.vector_load_idx %arg16[%broadcast_in_dim3A_49, %add3A_63, %add3A_460] : memref<2x128x128xf32, #tpu.memory_space<vmem>>[vector<16xi32>, vector<16xi32>, vector<16xi32>], vector<16xf32>,
      %mul3A_462 = arith.mulf %gather3A_458, %get3A_421 : vector<16xf32>
      %add3A_463 = arith.addf %scan3A_414, %mul3A_462 : vector<16xf32>
      %mul3A_464 = arith.mulf %gather3A_461, %get3A_426 : vector<16xf32>
      %add3A_465 = arith.addf %add3A_463, %mul3A_464 : vector<16xf32>
      %add3A_466 = vector.broadcast %scan3A_410 : i32 to vector<16xi32>
      %add3A_467 = arith.addi %get3A_104, %add3A_466 : vector<16xi32>
      %gather3A_468 = tpu.vector_load_idx %arg15[%broadcast_in_dim3A_49, %add3A_66, %add3A_467] : memref<2x128x128xf32, #tpu.memory_space<vmem>>[vector<16xi32>, vector<16xi32>, vector<16xi32>], vector<16xf32>,
      %add3A_469 = vector.broadcast %scan3A_410 : i32 to vector<16xi32>
      %add3A_470 = arith.addi %get3A_120, %add3A_469 : vector<16xi32>
      %gather3A_471 = tpu.vector_load_idx %arg16[%broadcast_in_dim3A_49, %add3A_66, %add3A_470] : memref<2x128x128xf32, #tpu.memory_space<vmem>>[vector<16xi32>, vector<16xi32>, vector<16xi32>], vector<16xf32>,
      %mul3A_472 = arith.mulf %gather3A_468, %get3A_421 : vector<16xf32>
      %add3A_473 = arith.addf %scan3A_415, %mul3A_472 : vector<16xf32>
      %mul3A_474 = arith.mulf %gather3A_471, %get3A_426 : vector<16xf32>
      %add3A_475 = arith.addf %add3A_473, %mul3A_474 : vector<16xf32>
      %add3A_476 = vector.broadcast %scan3A_410 : i32 to vector<16xi32>
      %add3A_477 = arith.addi %get3A_106, %add3A_476 : vector<16xi32>
      %gather3A_478 = tpu.vector_load_idx %arg15[%broadcast_in_dim3A_49, %add3A_69, %add3A_477] : memref<2x128x128xf32, #tpu.memory_space<vmem>>[vector<16xi32>, vector<16xi32>, vector<16xi32>], vector<16xf32>,
      %add3A_479 = vector.broadcast %scan3A_410 : i32 to vector<16xi32>
      %add3A_480 = arith.addi %get3A_122, %add3A_479 : vector<16xi32>
      %gather3A_481 = tpu.vector_load_idx %arg16[%broadcast_in_dim3A_49, %add3A_69, %add3A_480] : memref<2x128x128xf32, #tpu.memory_space<vmem>>[vector<16xi32>, vector<16xi32>, vector<16xi32>], vector<16xf32>,
      %mul3A_482 = arith.mulf %gather3A_478, %get3A_421 : vector<16xf32>
      %add3A_483 = arith.addf %scan3A_416, %mul3A_482 : vector<16xf32>
      %mul3A_484 = arith.mulf %gather3A_481, %get3A_426 : vector<16xf32>
      %add3A_485 = arith.addf %add3A_483, %mul3A_484 : vector<16xf32>
      %add3A_486 = vector.broadcast %scan3A_410 : i32 to vector<16xi32>
      %add3A_487 = arith.addi %get3A_108, %add3A_486 : vector<16xi32>
      %gather3A_488 = tpu.vector_load_idx %arg15[%broadcast_in_dim3A_49, %add3A_72, %add3A_487] : memref<2x128x128xf32, #tpu.memory_space<vmem>>[vector<16xi32>, vector<16xi32>, vector<16xi32>], vector<16xf32>,
      %add3A_489 = vector.broadcast %scan3A_410 : i32 to vector<16xi32>
      %add3A_490 = arith.addi %get3A_124, %add3A_489 : vector<16xi32>
      %gather3A_491 = tpu.vector_load_idx %arg16[%broadcast_in_dim3A_49, %add3A_72, %add3A_490] : memref<2x128x128xf32, #tpu.memory_space<vmem>>[vector<16xi32>, vector<16xi32>, vector<16xi32>], vector<16xf32>,
      %mul3A_492 = arith.mulf %gather3A_488, %get3A_421 : vector<16xf32>
      %add3A_493 = arith.addf %scan3A_417, %mul3A_492 : vector<16xf32>
      %mul3A_494 = arith.mulf %gather3A_491, %get3A_426 : vector<16xf32>
      %add3A_495 = arith.addf %add3A_493, %mul3A_494 : vector<16xf32>
      %add3A_496 = vector.broadcast %scan3A_410 : i32 to vector<16xi32>
      %add3A_497 = arith.addi %get3A_110, %add3A_496 : vector<16xi32>
      %gather3A_498 = tpu.vector_load_idx %arg15[%broadcast_in_dim3A_49, %add3A_75, %add3A_497] : memref<2x128x128xf32, #tpu.memory_space<vmem>>[vector<16xi32>, vector<16xi32>, vector<16xi32>], vector<16xf32>,
      %add3A_499 = vector.broadcast %scan3A_410 : i32 to vector<16xi32>
      %add3A_500 = arith.addi %get3A_126, %add3A_499 : vector<16xi32>
      %gather3A_501 = tpu.vector_load_idx %arg16[%broadcast_in_dim3A_49, %add3A_75, %add3A_500] : memref<2x128x128xf32, #tpu.memory_space<vmem>>[vector<16xi32>, vector<16xi32>, vector<16xi32>], vector<16xf32>,
      %mul3A_502 = arith.mulf %gather3A_498, %get3A_421 : vector<16xf32>
      %add3A_503 = arith.addf %scan3A_418, %mul3A_502 : vector<16xf32>
      %mul3A_504 = arith.mulf %gather3A_501, %get3A_426 : vector<16xf32>
      %add3A_505 = arith.addf %add3A_503, %mul3A_504 : vector<16xf32>
      scf.yield %add3A_435, %add3A_445, %add3A_455, %add3A_465, %add3A_475, %add3A_485, %add3A_495, %add3A_505 : vector<16xf32>, vector<16xf32>, vector<16xf32>, vector<16xf32>, vector<16xf32>, vector<16xf32>, vector<16xf32>, vector<16xf32>
    }
    %scan3A_132 = arith.constant 32 : i32
    %swap3A = arith.constant 0 : index
    %swap3A_133 = tpu.vector_load %arg19[%swap3A] {strides = array<i32>} : memref<512xf32, #tpu.memory_space<vmem>>, vector<16xf32>,
    tpu.vector_store %arg19[%swap3A], %scan3A_131#0 {strides = array<i32>} : memref<512xf32, #tpu.memory_space<vmem>>, vector<16xf32>,
    %swap3A_134 = arith.constant 16 : index
    %swap3A_135 = tpu.vector_load %arg19[%swap3A_134] {strides = array<i32>} : memref<512xf32, #tpu.memory_space<vmem>>, vector<16xf32>,
    tpu.vector_store %arg19[%swap3A_134], %scan3A_131#1 {strides = array<i32>} : memref<512xf32, #tpu.memory_space<vmem>>, vector<16xf32>,
    %swap3A_136 = arith.constant 32 : index
    %swap3A_137 = tpu.vector_load %arg19[%swap3A_136] {strides = array<i32>} : memref<512xf32, #tpu.memory_space<vmem>>, vector<16xf32>,
    tpu.vector_store %arg19[%swap3A_136], %scan3A_131#2 {strides = array<i32>} : memref<512xf32, #tpu.memory_space<vmem>>, vector<16xf32>,
    %swap3A_138 = arith.constant 48 : index
    %swap3A_139 = tpu.vector_load %arg19[%swap3A_138] {strides = array<i32>} : memref<512xf32, #tpu.memory_space<vmem>>, vector<16xf32>,
    tpu.vector_store %arg19[%swap3A_138], %scan3A_131#3 {strides = array<i32>} : memref<512xf32, #tpu.memory_space<vmem>>, vector<16xf32>,
    %swap3A_140 = arith.constant 64 : index
    %swap3A_141 = tpu.vector_load %arg19[%swap3A_140] {strides = array<i32>} : memref<512xf32, #tpu.memory_space<vmem>>, vector<16xf32>,
    tpu.vector_store %arg19[%swap3A_140], %scan3A_131#4 {strides = array<i32>} : memref<512xf32, #tpu.memory_space<vmem>>, vector<16xf32>,
    %swap3A_142 = arith.constant 80 : index
    %swap3A_143 = tpu.vector_load %arg19[%swap3A_142] {strides = array<i32>} : memref<512xf32, #tpu.memory_space<vmem>>, vector<16xf32>,
    tpu.vector_store %arg19[%swap3A_142], %scan3A_131#5 {strides = array<i32>} : memref<512xf32, #tpu.memory_space<vmem>>, vector<16xf32>,
    %swap3A_144 = arith.constant 96 : index
    %swap3A_145 = tpu.vector_load %arg19[%swap3A_144] {strides = array<i32>} : memref<512xf32, #tpu.memory_space<vmem>>, vector<16xf32>,
    tpu.vector_store %arg19[%swap3A_144], %scan3A_131#6 {strides = array<i32>} : memref<512xf32, #tpu.memory_space<vmem>>, vector<16xf32>,
    %swap3A_146 = arith.constant 112 : index
    %swap3A_147 = tpu.vector_load %arg19[%swap3A_146] {strides = array<i32>} : memref<512xf32, #tpu.memory_space<vmem>>, vector<16xf32>,
    tpu.vector_store %arg19[%swap3A_146], %scan3A_131#7 {strides = array<i32>} : memref<512xf32, #tpu.memory_space<vmem>>, vector<16xf32>,
    %dma_start3A_148 = arith.constant 0 : i32
    %dma_start3A_149 = arith.constant 0 : i32
    %dma_start3A_150 = arith.constant 0 : i32
    %dma_start3A_151 = tpu.memref_slice %arg15[%dma_start3A_148, %dma_start3A_149, %dma_start3A_150] : memref<2x128x128xf32, #tpu.memory_space<vmem>> -> memref<1x128x128xf32, #tpu.memory_space<vmem>>
    %dma_start3A_152 = tpu.memref_squeeze %dma_start3A_151 : memref<1x128x128xf32, #tpu.memory_space<vmem>> -> memref<128x128xf32, #tpu.memory_space<vmem>>
    %dma_start3A_153 = arith.constant 256 : i32
    %dma_start3A_154 = tpu.memref_slice %arg11[%dma_start3A_153] : memref<512xi32, #tpu.memory_space<vmem>> -> memref<128xi32, #tpu.memory_space<vmem>>
    %dma_start3A_155 = arith.constant 0 : i32
    %dma_start3A_156 = arith.constant 0 : i32
    %dma_start3A_157 = tpu.memref_slice %arg4[%dma_start3A_155, %dma_start3A_156] : memref<250000x128xf32, #tpu.memory_space<hbm>> -> memref<250000x128xf32, #tpu.memory_space<hbm>>
    tpu.enqueue_indirect_dma source(%dma_start3A_157 : memref<250000x128xf32, #tpu.memory_space<hbm>>) target(%dma_start3A_152 : memref<128x128xf32, #tpu.memory_space<vmem>>) offsets(%dma_start3A_154 : memref<128xi32, #tpu.memory_space<vmem>>) semaphore(%arg20 : memref<!tpu.dma_semaphore, #tpu.memory_space<semaphore_mem>>)
    %dma_start3A_158 = arith.constant 0 : i32
    %dma_start3A_159 = arith.constant 0 : i32
    %dma_start3A_160 = arith.constant 0 : i32
    %dma_start3A_161 = tpu.memref_slice %arg16[%dma_start3A_158, %dma_start3A_159, %dma_start3A_160] : memref<2x128x128xf32, #tpu.memory_space<vmem>> -> memref<1x128x128xf32, #tpu.memory_space<vmem>>
    %dma_start3A_162 = tpu.memref_squeeze %dma_start3A_161 : memref<1x128x128xf32, #tpu.memory_space<vmem>> -> memref<128x128xf32, #tpu.memory_space<vmem>>
    %dma_start3A_163 = arith.constant 256 : i32
    %dma_start3A_164 = tpu.memref_slice %arg12[%dma_start3A_163] : memref<512xi32, #tpu.memory_space<vmem>> -> memref<128xi32, #tpu.memory_space<vmem>>
    %dma_start3A_165 = arith.constant 0 : i32
    %dma_start3A_166 = arith.constant 0 : i32
    %dma_start3A_167 = tpu.memref_slice %arg5[%dma_start3A_165, %dma_start3A_166] : memref<250000x128xf32, #tpu.memory_space<hbm>> -> memref<250000x128xf32, #tpu.memory_space<hbm>>
    tpu.enqueue_indirect_dma source(%dma_start3A_167 : memref<250000x128xf32, #tpu.memory_space<hbm>>) target(%dma_start3A_162 : memref<128x128xf32, #tpu.memory_space<vmem>>) offsets(%dma_start3A_164 : memref<128xi32, #tpu.memory_space<vmem>>) semaphore(%arg21 : memref<!tpu.dma_semaphore, #tpu.memory_space<semaphore_mem>>)
    %dma_wait3A_168 = arith.constant 1 : i32
    %dma_wait3A_169 = arith.constant 0 : i32
    %dma_wait3A_170 = arith.constant 0 : i32
    %dma_wait3A_171 = tpu.memref_slice %arg15[%dma_wait3A_168, %dma_wait3A_169, %dma_wait3A_170] : memref<2x128x128xf32, #tpu.memory_space<vmem>> -> memref<1x128x128xf32, #tpu.memory_space<vmem>>
    %dma_wait3A_172 = tpu.memref_squeeze %dma_wait3A_171 : memref<1x128x128xf32, #tpu.memory_space<vmem>> -> memref<128x128xf32, #tpu.memory_space<vmem>>
    %dma_wait3A_173 = arith.constant 128 : i32
    %dma_wait3A_174 = tpu.memref_slice %arg11[%dma_wait3A_173] : memref<512xi32, #tpu.memory_space<vmem>> -> memref<128xi32, #tpu.memory_space<vmem>>
    %dma_wait3A_175 = arith.constant 0 : i32
    %dma_wait3A_176 = arith.constant 0 : i32
    %dma_wait3A_177 = tpu.memref_slice %arg4[%dma_wait3A_175, %dma_wait3A_176] : memref<250000x128xf32, #tpu.memory_space<hbm>> -> memref<250000x128xf32, #tpu.memory_space<hbm>>
    tpu.wait_indirect_dma semaphore(%arg20 : memref<!tpu.dma_semaphore, #tpu.memory_space<semaphore_mem>>) src(%dma_wait3A_177 : memref<250000x128xf32, #tpu.memory_space<hbm>>) dst(%dma_wait3A_172 : memref<128x128xf32, #tpu.memory_space<vmem>>)
    %dma_wait3A_178 = arith.constant 1 : i32
    %dma_wait3A_179 = arith.constant 0 : i32
    %dma_wait3A_180 = arith.constant 0 : i32
    %dma_wait3A_181 = tpu.memref_slice %arg16[%dma_wait3A_178, %dma_wait3A_179, %dma_wait3A_180] : memref<2x128x128xf32, #tpu.memory_space<vmem>> -> memref<1x128x128xf32, #tpu.memory_space<vmem>>
    %dma_wait3A_182 = tpu.memref_squeeze %dma_wait3A_181 : memref<1x128x128xf32, #tpu.memory_space<vmem>> -> memref<128x128xf32, #tpu.memory_space<vmem>>
    %dma_wait3A_183 = arith.constant 128 : i32
    %dma_wait3A_184 = tpu.memref_slice %arg12[%dma_wait3A_183] : memref<512xi32, #tpu.memory_space<vmem>> -> memref<128xi32, #tpu.memory_space<vmem>>
    %dma_wait3A_185 = arith.constant 0 : i32
    %dma_wait3A_186 = arith.constant 0 : i32
    %dma_wait3A_187 = tpu.memref_slice %arg5[%dma_wait3A_185, %dma_wait3A_186] : memref<250000x128xf32, #tpu.memory_space<hbm>> -> memref<250000x128xf32, #tpu.memory_space<hbm>>
    tpu.wait_indirect_dma semaphore(%arg21 : memref<!tpu.dma_semaphore, #tpu.memory_space<semaphore_mem>>) src(%dma_wait3A_187 : memref<250000x128xf32, #tpu.memory_space<hbm>>) dst(%dma_wait3A_182 : memref<128x128xf32, #tpu.memory_space<vmem>>)
    %get3A_188 = arith.constant 128 : index
    %get3A_189 = tpu.vector_load %arg13[%get3A_188] {strides = array<i32>} : memref<512xi32, #tpu.memory_space<vmem>>, vector<16xi32>,
    %get3A_190 = arith.constant 144 : index
    %get3A_191 = tpu.vector_load %arg13[%get3A_190] {strides = array<i32>} : memref<512xi32, #tpu.memory_space<vmem>>, vector<16xi32>,
    %get3A_192 = arith.constant 160 : index
    %get3A_193 = tpu.vector_load %arg13[%get3A_192] {strides = array<i32>} : memref<512xi32, #tpu.memory_space<vmem>>, vector<16xi32>,
    %get3A_194 = arith.constant 176 : index
    %get3A_195 = tpu.vector_load %arg13[%get3A_194] {strides = array<i32>} : memref<512xi32, #tpu.memory_space<vmem>>, vector<16xi32>,
    %get3A_196 = arith.constant 192 : index
    %get3A_197 = tpu.vector_load %arg13[%get3A_196] {strides = array<i32>} : memref<512xi32, #tpu.memory_space<vmem>>, vector<16xi32>,
    %get3A_198 = arith.constant 208 : index
    %get3A_199 = tpu.vector_load %arg13[%get3A_198] {strides = array<i32>} : memref<512xi32, #tpu.memory_space<vmem>>, vector<16xi32>,
    %get3A_200 = arith.constant 224 : index
    %get3A_201 = tpu.vector_load %arg13[%get3A_200] {strides = array<i32>} : memref<512xi32, #tpu.memory_space<vmem>>, vector<16xi32>,
    %get3A_202 = arith.constant 240 : index
    %get3A_203 = tpu.vector_load %arg13[%get3A_202] {strides = array<i32>} : memref<512xi32, #tpu.memory_space<vmem>>, vector<16xi32>,
    %get3A_204 = arith.constant 128 : index
    %get3A_205 = tpu.vector_load %arg14[%get3A_204] {strides = array<i32>} : memref<512xi32, #tpu.memory_space<vmem>>, vector<16xi32>,
    %get3A_206 = arith.constant 144 : index
    %get3A_207 = tpu.vector_load %arg14[%get3A_206] {strides = array<i32>} : memref<512xi32, #tpu.memory_space<vmem>>, vector<16xi32>,
    %get3A_208 = arith.constant 160 : index
    %get3A_209 = tpu.vector_load %arg14[%get3A_208] {strides = array<i32>} : memref<512xi32, #tpu.memory_space<vmem>>, vector<16xi32>,
    %get3A_210 = arith.constant 176 : index
    %get3A_211 = tpu.vector_load %arg14[%get3A_210] {strides = array<i32>} : memref<512xi32, #tpu.memory_space<vmem>>, vector<16xi32>,
    %get3A_212 = arith.constant 192 : index
    %get3A_213 = tpu.vector_load %arg14[%get3A_212] {strides = array<i32>} : memref<512xi32, #tpu.memory_space<vmem>>, vector<16xi32>,
    %get3A_214 = arith.constant 208 : index
    %get3A_215 = tpu.vector_load %arg14[%get3A_214] {strides = array<i32>} : memref<512xi32, #tpu.memory_space<vmem>>, vector<16xi32>,
    %get3A_216 = arith.constant 224 : index
    %get3A_217 = tpu.vector_load %arg14[%get3A_216] {strides = array<i32>} : memref<512xi32, #tpu.memory_space<vmem>>, vector<16xi32>,
    %get3A_218 = arith.constant 240 : index
    %get3A_219 = tpu.vector_load %arg14[%get3A_218] {strides = array<i32>} : memref<512xi32, #tpu.memory_space<vmem>>, vector<16xi32>,
    %scan3A_220 = arith.constant 0 : i32
    %scan3A_221 = arith.constant 32 : i32
    %scan3A_222 = arith.addi %scan3A_220, %scan3A_221 : i32
    %scan3A_223 = arith.constant 1 : i32
    %scan3A_224:8 = scf.for %scan3A_410 = %scan3A_220 to %scan3A_222 step %scan3A_223 iter_args(%scan3A_411 = %get3A_48, %scan3A_412 = %get3A_48, %scan3A_413 = %get3A_48, %scan3A_414 = %get3A_48, %scan3A_415 = %get3A_48, %scan3A_416 = %get3A_48, %scan3A_417 = %get3A_48, %scan3A_418 = %get3A_48) -> (vector<16xf32>, vector<16xf32>, vector<16xf32>, vector<16xf32>, vector<16xf32>, vector<16xf32>, vector<16xf32>, vector<16xf32>)  : i32 {
      %get3A_419 = arith.index_cast %scan3A_410 : i32 to index
      %get3A_420 = arith.constant 0 : index
      %get3A_421 = tpu.vector_load %arg17[%get3A_419, %get3A_420] {strides = array<i32>} : memref<64x16xf32, #tpu.memory_space<vmem>>, vector<16xf32>,
      %add3A_422 = arith.constant 32 : i32
      %add3A_423 = arith.addi %scan3A_410, %add3A_422 : i32
      %get3A_424 = arith.index_cast %add3A_423 : i32 to index
      %get3A_425 = arith.constant 0 : index
      %get3A_426 = tpu.vector_load %arg17[%get3A_424, %get3A_425] {strides = array<i32>} : memref<64x16xf32, #tpu.memory_space<vmem>>, vector<16xf32>,
      %add3A_427 = vector.broadcast %scan3A_410 : i32 to vector<16xi32>
      %add3A_428 = arith.addi %get3A_189, %add3A_427 : vector<16xi32>
      %gather3A = tpu.vector_load_idx %arg15[%broadcast_in_dim3A_51, %add3A_54, %add3A_428] : memref<2x128x128xf32, #tpu.memory_space<vmem>>[vector<16xi32>, vector<16xi32>, vector<16xi32>], vector<16xf32>,
      %add3A_429 = vector.broadcast %scan3A_410 : i32 to vector<16xi32>
      %add3A_430 = arith.addi %get3A_205, %add3A_429 : vector<16xi32>
      %gather3A_431 = tpu.vector_load_idx %arg16[%broadcast_in_dim3A_51, %add3A_54, %add3A_430] : memref<2x128x128xf32, #tpu.memory_space<vmem>>[vector<16xi32>, vector<16xi32>, vector<16xi32>], vector<16xf32>,
      %mul3A_432 = arith.mulf %gather3A, %get3A_421 : vector<16xf32>
      %add3A_433 = arith.addf %scan3A_411, %mul3A_432 : vector<16xf32>
      %mul3A_434 = arith.mulf %gather3A_431, %get3A_426 : vector<16xf32>
      %add3A_435 = arith.addf %add3A_433, %mul3A_434 : vector<16xf32>
      %add3A_436 = vector.broadcast %scan3A_410 : i32 to vector<16xi32>
      %add3A_437 = arith.addi %get3A_191, %add3A_436 : vector<16xi32>
      %gather3A_438 = tpu.vector_load_idx %arg15[%broadcast_in_dim3A_51, %add3A_57, %add3A_437] : memref<2x128x128xf32, #tpu.memory_space<vmem>>[vector<16xi32>, vector<16xi32>, vector<16xi32>], vector<16xf32>,
      %add3A_439 = vector.broadcast %scan3A_410 : i32 to vector<16xi32>
      %add3A_440 = arith.addi %get3A_207, %add3A_439 : vector<16xi32>
      %gather3A_441 = tpu.vector_load_idx %arg16[%broadcast_in_dim3A_51, %add3A_57, %add3A_440] : memref<2x128x128xf32, #tpu.memory_space<vmem>>[vector<16xi32>, vector<16xi32>, vector<16xi32>], vector<16xf32>,
      %mul3A_442 = arith.mulf %gather3A_438, %get3A_421 : vector<16xf32>
      %add3A_443 = arith.addf %scan3A_412, %mul3A_442 : vector<16xf32>
      %mul3A_444 = arith.mulf %gather3A_441, %get3A_426 : vector<16xf32>
      %add3A_445 = arith.addf %add3A_443, %mul3A_444 : vector<16xf32>
      %add3A_446 = vector.broadcast %scan3A_410 : i32 to vector<16xi32>
      %add3A_447 = arith.addi %get3A_193, %add3A_446 : vector<16xi32>
      %gather3A_448 = tpu.vector_load_idx %arg15[%broadcast_in_dim3A_51, %add3A_60, %add3A_447] : memref<2x128x128xf32, #tpu.memory_space<vmem>>[vector<16xi32>, vector<16xi32>, vector<16xi32>], vector<16xf32>,
      %add3A_449 = vector.broadcast %scan3A_410 : i32 to vector<16xi32>
      %add3A_450 = arith.addi %get3A_209, %add3A_449 : vector<16xi32>
      %gather3A_451 = tpu.vector_load_idx %arg16[%broadcast_in_dim3A_51, %add3A_60, %add3A_450] : memref<2x128x128xf32, #tpu.memory_space<vmem>>[vector<16xi32>, vector<16xi32>, vector<16xi32>], vector<16xf32>,
      %mul3A_452 = arith.mulf %gather3A_448, %get3A_421 : vector<16xf32>
      %add3A_453 = arith.addf %scan3A_413, %mul3A_452 : vector<16xf32>
      %mul3A_454 = arith.mulf %gather3A_451, %get3A_426 : vector<16xf32>
      %add3A_455 = arith.addf %add3A_453, %mul3A_454 : vector<16xf32>
      %add3A_456 = vector.broadcast %scan3A_410 : i32 to vector<16xi32>
      %add3A_457 = arith.addi %get3A_195, %add3A_456 : vector<16xi32>
      %gather3A_458 = tpu.vector_load_idx %arg15[%broadcast_in_dim3A_51, %add3A_63, %add3A_457] : memref<2x128x128xf32, #tpu.memory_space<vmem>>[vector<16xi32>, vector<16xi32>, vector<16xi32>], vector<16xf32>,
      %add3A_459 = vector.broadcast %scan3A_410 : i32 to vector<16xi32>
      %add3A_460 = arith.addi %get3A_211, %add3A_459 : vector<16xi32>
      %gather3A_461 = tpu.vector_load_idx %arg16[%broadcast_in_dim3A_51, %add3A_63, %add3A_460] : memref<2x128x128xf32, #tpu.memory_space<vmem>>[vector<16xi32>, vector<16xi32>, vector<16xi32>], vector<16xf32>,
      %mul3A_462 = arith.mulf %gather3A_458, %get3A_421 : vector<16xf32>
      %add3A_463 = arith.addf %scan3A_414, %mul3A_462 : vector<16xf32>
      %mul3A_464 = arith.mulf %gather3A_461, %get3A_426 : vector<16xf32>
      %add3A_465 = arith.addf %add3A_463, %mul3A_464 : vector<16xf32>
      %add3A_466 = vector.broadcast %scan3A_410 : i32 to vector<16xi32>
      %add3A_467 = arith.addi %get3A_197, %add3A_466 : vector<16xi32>
      %gather3A_468 = tpu.vector_load_idx %arg15[%broadcast_in_dim3A_51, %add3A_66, %add3A_467] : memref<2x128x128xf32, #tpu.memory_space<vmem>>[vector<16xi32>, vector<16xi32>, vector<16xi32>], vector<16xf32>,
      %add3A_469 = vector.broadcast %scan3A_410 : i32 to vector<16xi32>
      %add3A_470 = arith.addi %get3A_213, %add3A_469 : vector<16xi32>
      %gather3A_471 = tpu.vector_load_idx %arg16[%broadcast_in_dim3A_51, %add3A_66, %add3A_470] : memref<2x128x128xf32, #tpu.memory_space<vmem>>[vector<16xi32>, vector<16xi32>, vector<16xi32>], vector<16xf32>,
      %mul3A_472 = arith.mulf %gather3A_468, %get3A_421 : vector<16xf32>
      %add3A_473 = arith.addf %scan3A_415, %mul3A_472 : vector<16xf32>
      %mul3A_474 = arith.mulf %gather3A_471, %get3A_426 : vector<16xf32>
      %add3A_475 = arith.addf %add3A_473, %mul3A_474 : vector<16xf32>
      %add3A_476 = vector.broadcast %scan3A_410 : i32 to vector<16xi32>
      %add3A_477 = arith.addi %get3A_199, %add3A_476 : vector<16xi32>
      %gather3A_478 = tpu.vector_load_idx %arg15[%broadcast_in_dim3A_51, %add3A_69, %add3A_477] : memref<2x128x128xf32, #tpu.memory_space<vmem>>[vector<16xi32>, vector<16xi32>, vector<16xi32>], vector<16xf32>,
      %add3A_479 = vector.broadcast %scan3A_410 : i32 to vector<16xi32>
      %add3A_480 = arith.addi %get3A_215, %add3A_479 : vector<16xi32>
      %gather3A_481 = tpu.vector_load_idx %arg16[%broadcast_in_dim3A_51, %add3A_69, %add3A_480] : memref<2x128x128xf32, #tpu.memory_space<vmem>>[vector<16xi32>, vector<16xi32>, vector<16xi32>], vector<16xf32>,
      %mul3A_482 = arith.mulf %gather3A_478, %get3A_421 : vector<16xf32>
      %add3A_483 = arith.addf %scan3A_416, %mul3A_482 : vector<16xf32>
      %mul3A_484 = arith.mulf %gather3A_481, %get3A_426 : vector<16xf32>
      %add3A_485 = arith.addf %add3A_483, %mul3A_484 : vector<16xf32>
      %add3A_486 = vector.broadcast %scan3A_410 : i32 to vector<16xi32>
      %add3A_487 = arith.addi %get3A_201, %add3A_486 : vector<16xi32>
      %gather3A_488 = tpu.vector_load_idx %arg15[%broadcast_in_dim3A_51, %add3A_72, %add3A_487] : memref<2x128x128xf32, #tpu.memory_space<vmem>>[vector<16xi32>, vector<16xi32>, vector<16xi32>], vector<16xf32>,
      %add3A_489 = vector.broadcast %scan3A_410 : i32 to vector<16xi32>
      %add3A_490 = arith.addi %get3A_217, %add3A_489 : vector<16xi32>
      %gather3A_491 = tpu.vector_load_idx %arg16[%broadcast_in_dim3A_51, %add3A_72, %add3A_490] : memref<2x128x128xf32, #tpu.memory_space<vmem>>[vector<16xi32>, vector<16xi32>, vector<16xi32>], vector<16xf32>,
      %mul3A_492 = arith.mulf %gather3A_488, %get3A_421 : vector<16xf32>
      %add3A_493 = arith.addf %scan3A_417, %mul3A_492 : vector<16xf32>
      %mul3A_494 = arith.mulf %gather3A_491, %get3A_426 : vector<16xf32>
      %add3A_495 = arith.addf %add3A_493, %mul3A_494 : vector<16xf32>
      %add3A_496 = vector.broadcast %scan3A_410 : i32 to vector<16xi32>
      %add3A_497 = arith.addi %get3A_203, %add3A_496 : vector<16xi32>
      %gather3A_498 = tpu.vector_load_idx %arg15[%broadcast_in_dim3A_51, %add3A_75, %add3A_497] : memref<2x128x128xf32, #tpu.memory_space<vmem>>[vector<16xi32>, vector<16xi32>, vector<16xi32>], vector<16xf32>,
      %add3A_499 = vector.broadcast %scan3A_410 : i32 to vector<16xi32>
      %add3A_500 = arith.addi %get3A_219, %add3A_499 : vector<16xi32>
      %gather3A_501 = tpu.vector_load_idx %arg16[%broadcast_in_dim3A_51, %add3A_75, %add3A_500] : memref<2x128x128xf32, #tpu.memory_space<vmem>>[vector<16xi32>, vector<16xi32>, vector<16xi32>], vector<16xf32>,
      %mul3A_502 = arith.mulf %gather3A_498, %get3A_421 : vector<16xf32>
      %add3A_503 = arith.addf %scan3A_418, %mul3A_502 : vector<16xf32>
      %mul3A_504 = arith.mulf %gather3A_501, %get3A_426 : vector<16xf32>
      %add3A_505 = arith.addf %add3A_503, %mul3A_504 : vector<16xf32>
      scf.yield %add3A_435, %add3A_445, %add3A_455, %add3A_465, %add3A_475, %add3A_485, %add3A_495, %add3A_505 : vector<16xf32>, vector<16xf32>, vector<16xf32>, vector<16xf32>, vector<16xf32>, vector<16xf32>, vector<16xf32>, vector<16xf32>
    }
    %scan3A_225 = arith.constant 32 : i32
    %swap3A_226 = arith.constant 128 : index
    %swap3A_227 = tpu.vector_load %arg19[%swap3A_226] {strides = array<i32>} : memref<512xf32, #tpu.memory_space<vmem>>, vector<16xf32>,
    tpu.vector_store %arg19[%swap3A_226], %scan3A_224#0 {strides = array<i32>} : memref<512xf32, #tpu.memory_space<vmem>>, vector<16xf32>,
    %swap3A_228 = arith.constant 144 : index
    %swap3A_229 = tpu.vector_load %arg19[%swap3A_228] {strides = array<i32>} : memref<512xf32, #tpu.memory_space<vmem>>, vector<16xf32>,
    tpu.vector_store %arg19[%swap3A_228], %scan3A_224#1 {strides = array<i32>} : memref<512xf32, #tpu.memory_space<vmem>>, vector<16xf32>,
    %swap3A_230 = arith.constant 160 : index
    %swap3A_231 = tpu.vector_load %arg19[%swap3A_230] {strides = array<i32>} : memref<512xf32, #tpu.memory_space<vmem>>, vector<16xf32>,
    tpu.vector_store %arg19[%swap3A_230], %scan3A_224#2 {strides = array<i32>} : memref<512xf32, #tpu.memory_space<vmem>>, vector<16xf32>,
    %swap3A_232 = arith.constant 176 : index
    %swap3A_233 = tpu.vector_load %arg19[%swap3A_232] {strides = array<i32>} : memref<512xf32, #tpu.memory_space<vmem>>, vector<16xf32>,
    tpu.vector_store %arg19[%swap3A_232], %scan3A_224#3 {strides = array<i32>} : memref<512xf32, #tpu.memory_space<vmem>>, vector<16xf32>,
    %swap3A_234 = arith.constant 192 : index
    %swap3A_235 = tpu.vector_load %arg19[%swap3A_234] {strides = array<i32>} : memref<512xf32, #tpu.memory_space<vmem>>, vector<16xf32>,
    tpu.vector_store %arg19[%swap3A_234], %scan3A_224#4 {strides = array<i32>} : memref<512xf32, #tpu.memory_space<vmem>>, vector<16xf32>,
    %swap3A_236 = arith.constant 208 : index
    %swap3A_237 = tpu.vector_load %arg19[%swap3A_236] {strides = array<i32>} : memref<512xf32, #tpu.memory_space<vmem>>, vector<16xf32>,
    tpu.vector_store %arg19[%swap3A_236], %scan3A_224#5 {strides = array<i32>} : memref<512xf32, #tpu.memory_space<vmem>>, vector<16xf32>,
    %swap3A_238 = arith.constant 224 : index
    %swap3A_239 = tpu.vector_load %arg19[%swap3A_238] {strides = array<i32>} : memref<512xf32, #tpu.memory_space<vmem>>, vector<16xf32>,
    tpu.vector_store %arg19[%swap3A_238], %scan3A_224#6 {strides = array<i32>} : memref<512xf32, #tpu.memory_space<vmem>>, vector<16xf32>,
    %swap3A_240 = arith.constant 240 : index
    %swap3A_241 = tpu.vector_load %arg19[%swap3A_240] {strides = array<i32>} : memref<512xf32, #tpu.memory_space<vmem>>, vector<16xf32>,
    tpu.vector_store %arg19[%swap3A_240], %scan3A_224#7 {strides = array<i32>} : memref<512xf32, #tpu.memory_space<vmem>>, vector<16xf32>,
    %dma_start3A_242 = arith.constant 1 : i32
    %dma_start3A_243 = arith.constant 0 : i32
    %dma_start3A_244 = arith.constant 0 : i32
    %dma_start3A_245 = tpu.memref_slice %arg15[%dma_start3A_242, %dma_start3A_243, %dma_start3A_244] : memref<2x128x128xf32, #tpu.memory_space<vmem>> -> memref<1x128x128xf32, #tpu.memory_space<vmem>>
    %dma_start3A_246 = tpu.memref_squeeze %dma_start3A_245 : memref<1x128x128xf32, #tpu.memory_space<vmem>> -> memref<128x128xf32, #tpu.memory_space<vmem>>
    %dma_start3A_247 = arith.constant 384 : i32
    %dma_start3A_248 = tpu.memref_slice %arg11[%dma_start3A_247] : memref<512xi32, #tpu.memory_space<vmem>> -> memref<128xi32, #tpu.memory_space<vmem>>
    %dma_start3A_249 = arith.constant 0 : i32
    %dma_start3A_250 = arith.constant 0 : i32
    %dma_start3A_251 = tpu.memref_slice %arg4[%dma_start3A_249, %dma_start3A_250] : memref<250000x128xf32, #tpu.memory_space<hbm>> -> memref<250000x128xf32, #tpu.memory_space<hbm>>
    tpu.enqueue_indirect_dma source(%dma_start3A_251 : memref<250000x128xf32, #tpu.memory_space<hbm>>) target(%dma_start3A_246 : memref<128x128xf32, #tpu.memory_space<vmem>>) offsets(%dma_start3A_248 : memref<128xi32, #tpu.memory_space<vmem>>) semaphore(%arg20 : memref<!tpu.dma_semaphore, #tpu.memory_space<semaphore_mem>>)
    %dma_start3A_252 = arith.constant 1 : i32
    %dma_start3A_253 = arith.constant 0 : i32
    %dma_start3A_254 = arith.constant 0 : i32
    %dma_start3A_255 = tpu.memref_slice %arg16[%dma_start3A_252, %dma_start3A_253, %dma_start3A_254] : memref<2x128x128xf32, #tpu.memory_space<vmem>> -> memref<1x128x128xf32, #tpu.memory_space<vmem>>
    %dma_start3A_256 = tpu.memref_squeeze %dma_start3A_255 : memref<1x128x128xf32, #tpu.memory_space<vmem>> -> memref<128x128xf32, #tpu.memory_space<vmem>>
    %dma_start3A_257 = arith.constant 384 : i32
    %dma_start3A_258 = tpu.memref_slice %arg12[%dma_start3A_257] : memref<512xi32, #tpu.memory_space<vmem>> -> memref<128xi32, #tpu.memory_space<vmem>>
    %dma_start3A_259 = arith.constant 0 : i32
    %dma_start3A_260 = arith.constant 0 : i32
    %dma_start3A_261 = tpu.memref_slice %arg5[%dma_start3A_259, %dma_start3A_260] : memref<250000x128xf32, #tpu.memory_space<hbm>> -> memref<250000x128xf32, #tpu.memory_space<hbm>>
    tpu.enqueue_indirect_dma source(%dma_start3A_261 : memref<250000x128xf32, #tpu.memory_space<hbm>>) target(%dma_start3A_256 : memref<128x128xf32, #tpu.memory_space<vmem>>) offsets(%dma_start3A_258 : memref<128xi32, #tpu.memory_space<vmem>>) semaphore(%arg21 : memref<!tpu.dma_semaphore, #tpu.memory_space<semaphore_mem>>)
    %dma_wait3A_262 = arith.constant 0 : i32
    %dma_wait3A_263 = arith.constant 0 : i32
    %dma_wait3A_264 = arith.constant 0 : i32
    %dma_wait3A_265 = tpu.memref_slice %arg15[%dma_wait3A_262, %dma_wait3A_263, %dma_wait3A_264] : memref<2x128x128xf32, #tpu.memory_space<vmem>> -> memref<1x128x128xf32, #tpu.memory_space<vmem>>
    %dma_wait3A_266 = tpu.memref_squeeze %dma_wait3A_265 : memref<1x128x128xf32, #tpu.memory_space<vmem>> -> memref<128x128xf32, #tpu.memory_space<vmem>>
    %dma_wait3A_267 = arith.constant 256 : i32
    %dma_wait3A_268 = tpu.memref_slice %arg11[%dma_wait3A_267] : memref<512xi32, #tpu.memory_space<vmem>> -> memref<128xi32, #tpu.memory_space<vmem>>
    %dma_wait3A_269 = arith.constant 0 : i32
    %dma_wait3A_270 = arith.constant 0 : i32
    %dma_wait3A_271 = tpu.memref_slice %arg4[%dma_wait3A_269, %dma_wait3A_270] : memref<250000x128xf32, #tpu.memory_space<hbm>> -> memref<250000x128xf32, #tpu.memory_space<hbm>>
    tpu.wait_indirect_dma semaphore(%arg20 : memref<!tpu.dma_semaphore, #tpu.memory_space<semaphore_mem>>) src(%dma_wait3A_271 : memref<250000x128xf32, #tpu.memory_space<hbm>>) dst(%dma_wait3A_266 : memref<128x128xf32, #tpu.memory_space<vmem>>)
    %dma_wait3A_272 = arith.constant 0 : i32
    %dma_wait3A_273 = arith.constant 0 : i32
    %dma_wait3A_274 = arith.constant 0 : i32
    %dma_wait3A_275 = tpu.memref_slice %arg16[%dma_wait3A_272, %dma_wait3A_273, %dma_wait3A_274] : memref<2x128x128xf32, #tpu.memory_space<vmem>> -> memref<1x128x128xf32, #tpu.memory_space<vmem>>
    %dma_wait3A_276 = tpu.memref_squeeze %dma_wait3A_275 : memref<1x128x128xf32, #tpu.memory_space<vmem>> -> memref<128x128xf32, #tpu.memory_space<vmem>>
    %dma_wait3A_277 = arith.constant 256 : i32
    %dma_wait3A_278 = tpu.memref_slice %arg12[%dma_wait3A_277] : memref<512xi32, #tpu.memory_space<vmem>> -> memref<128xi32, #tpu.memory_space<vmem>>
    %dma_wait3A_279 = arith.constant 0 : i32
    %dma_wait3A_280 = arith.constant 0 : i32
    %dma_wait3A_281 = tpu.memref_slice %arg5[%dma_wait3A_279, %dma_wait3A_280] : memref<250000x128xf32, #tpu.memory_space<hbm>> -> memref<250000x128xf32, #tpu.memory_space<hbm>>
    tpu.wait_indirect_dma semaphore(%arg21 : memref<!tpu.dma_semaphore, #tpu.memory_space<semaphore_mem>>) src(%dma_wait3A_281 : memref<250000x128xf32, #tpu.memory_space<hbm>>) dst(%dma_wait3A_276 : memref<128x128xf32, #tpu.memory_space<vmem>>)
    %get3A_282 = arith.constant 256 : index
    %get3A_283 = tpu.vector_load %arg13[%get3A_282] {strides = array<i32>} : memref<512xi32, #tpu.memory_space<vmem>>, vector<16xi32>,
    %get3A_284 = arith.constant 272 : index
    %get3A_285 = tpu.vector_load %arg13[%get3A_284] {strides = array<i32>} : memref<512xi32, #tpu.memory_space<vmem>>, vector<16xi32>,
    %get3A_286 = arith.constant 288 : index
    %get3A_287 = tpu.vector_load %arg13[%get3A_286] {strides = array<i32>} : memref<512xi32, #tpu.memory_space<vmem>>, vector<16xi32>,
    %get3A_288 = arith.constant 304 : index
    %get3A_289 = tpu.vector_load %arg13[%get3A_288] {strides = array<i32>} : memref<512xi32, #tpu.memory_space<vmem>>, vector<16xi32>,
    %get3A_290 = arith.constant 320 : index
    %get3A_291 = tpu.vector_load %arg13[%get3A_290] {strides = array<i32>} : memref<512xi32, #tpu.memory_space<vmem>>, vector<16xi32>,
    %get3A_292 = arith.constant 336 : index
    %get3A_293 = tpu.vector_load %arg13[%get3A_292] {strides = array<i32>} : memref<512xi32, #tpu.memory_space<vmem>>, vector<16xi32>,
    %get3A_294 = arith.constant 352 : index
    %get3A_295 = tpu.vector_load %arg13[%get3A_294] {strides = array<i32>} : memref<512xi32, #tpu.memory_space<vmem>>, vector<16xi32>,
    %get3A_296 = arith.constant 368 : index
    %get3A_297 = tpu.vector_load %arg13[%get3A_296] {strides = array<i32>} : memref<512xi32, #tpu.memory_space<vmem>>, vector<16xi32>,
    %get3A_298 = arith.constant 256 : index
    %get3A_299 = tpu.vector_load %arg14[%get3A_298] {strides = array<i32>} : memref<512xi32, #tpu.memory_space<vmem>>, vector<16xi32>,
    %get3A_300 = arith.constant 272 : index
    %get3A_301 = tpu.vector_load %arg14[%get3A_300] {strides = array<i32>} : memref<512xi32, #tpu.memory_space<vmem>>, vector<16xi32>,
    %get3A_302 = arith.constant 288 : index
    %get3A_303 = tpu.vector_load %arg14[%get3A_302] {strides = array<i32>} : memref<512xi32, #tpu.memory_space<vmem>>, vector<16xi32>,
    %get3A_304 = arith.constant 304 : index
    %get3A_305 = tpu.vector_load %arg14[%get3A_304] {strides = array<i32>} : memref<512xi32, #tpu.memory_space<vmem>>, vector<16xi32>,
    %get3A_306 = arith.constant 320 : index
    %get3A_307 = tpu.vector_load %arg14[%get3A_306] {strides = array<i32>} : memref<512xi32, #tpu.memory_space<vmem>>, vector<16xi32>,
    %get3A_308 = arith.constant 336 : index
    %get3A_309 = tpu.vector_load %arg14[%get3A_308] {strides = array<i32>} : memref<512xi32, #tpu.memory_space<vmem>>, vector<16xi32>,
    %get3A_310 = arith.constant 352 : index
    %get3A_311 = tpu.vector_load %arg14[%get3A_310] {strides = array<i32>} : memref<512xi32, #tpu.memory_space<vmem>>, vector<16xi32>,
    %get3A_312 = arith.constant 368 : index
    %get3A_313 = tpu.vector_load %arg14[%get3A_312] {strides = array<i32>} : memref<512xi32, #tpu.memory_space<vmem>>, vector<16xi32>,
    %scan3A_314 = arith.constant 0 : i32
    %scan3A_315 = arith.constant 32 : i32
    %scan3A_316 = arith.addi %scan3A_314, %scan3A_315 : i32
    %scan3A_317 = arith.constant 1 : i32
    %scan3A_318:8 = scf.for %scan3A_410 = %scan3A_314 to %scan3A_316 step %scan3A_317 iter_args(%scan3A_411 = %get3A_48, %scan3A_412 = %get3A_48, %scan3A_413 = %get3A_48, %scan3A_414 = %get3A_48, %scan3A_415 = %get3A_48, %scan3A_416 = %get3A_48, %scan3A_417 = %get3A_48, %scan3A_418 = %get3A_48) -> (vector<16xf32>, vector<16xf32>, vector<16xf32>, vector<16xf32>, vector<16xf32>, vector<16xf32>, vector<16xf32>, vector<16xf32>)  : i32 {
      %get3A_419 = arith.index_cast %scan3A_410 : i32 to index
      %get3A_420 = arith.constant 0 : index
      %get3A_421 = tpu.vector_load %arg17[%get3A_419, %get3A_420] {strides = array<i32>} : memref<64x16xf32, #tpu.memory_space<vmem>>, vector<16xf32>,
      %add3A_422 = arith.constant 32 : i32
      %add3A_423 = arith.addi %scan3A_410, %add3A_422 : i32
      %get3A_424 = arith.index_cast %add3A_423 : i32 to index
      %get3A_425 = arith.constant 0 : index
      %get3A_426 = tpu.vector_load %arg17[%get3A_424, %get3A_425] {strides = array<i32>} : memref<64x16xf32, #tpu.memory_space<vmem>>, vector<16xf32>,
      %add3A_427 = vector.broadcast %scan3A_410 : i32 to vector<16xi32>
      %add3A_428 = arith.addi %get3A_283, %add3A_427 : vector<16xi32>
      %gather3A = tpu.vector_load_idx %arg15[%broadcast_in_dim3A_49, %add3A_54, %add3A_428] : memref<2x128x128xf32, #tpu.memory_space<vmem>>[vector<16xi32>, vector<16xi32>, vector<16xi32>], vector<16xf32>,
      %add3A_429 = vector.broadcast %scan3A_410 : i32 to vector<16xi32>
      %add3A_430 = arith.addi %get3A_299, %add3A_429 : vector<16xi32>
      %gather3A_431 = tpu.vector_load_idx %arg16[%broadcast_in_dim3A_49, %add3A_54, %add3A_430] : memref<2x128x128xf32, #tpu.memory_space<vmem>>[vector<16xi32>, vector<16xi32>, vector<16xi32>], vector<16xf32>,
      %mul3A_432 = arith.mulf %gather3A, %get3A_421 : vector<16xf32>
      %add3A_433 = arith.addf %scan3A_411, %mul3A_432 : vector<16xf32>
      %mul3A_434 = arith.mulf %gather3A_431, %get3A_426 : vector<16xf32>
      %add3A_435 = arith.addf %add3A_433, %mul3A_434 : vector<16xf32>
      %add3A_436 = vector.broadcast %scan3A_410 : i32 to vector<16xi32>
      %add3A_437 = arith.addi %get3A_285, %add3A_436 : vector<16xi32>
      %gather3A_438 = tpu.vector_load_idx %arg15[%broadcast_in_dim3A_49, %add3A_57, %add3A_437] : memref<2x128x128xf32, #tpu.memory_space<vmem>>[vector<16xi32>, vector<16xi32>, vector<16xi32>], vector<16xf32>,
      %add3A_439 = vector.broadcast %scan3A_410 : i32 to vector<16xi32>
      %add3A_440 = arith.addi %get3A_301, %add3A_439 : vector<16xi32>
      %gather3A_441 = tpu.vector_load_idx %arg16[%broadcast_in_dim3A_49, %add3A_57, %add3A_440] : memref<2x128x128xf32, #tpu.memory_space<vmem>>[vector<16xi32>, vector<16xi32>, vector<16xi32>], vector<16xf32>,
      %mul3A_442 = arith.mulf %gather3A_438, %get3A_421 : vector<16xf32>
      %add3A_443 = arith.addf %scan3A_412, %mul3A_442 : vector<16xf32>
      %mul3A_444 = arith.mulf %gather3A_441, %get3A_426 : vector<16xf32>
      %add3A_445 = arith.addf %add3A_443, %mul3A_444 : vector<16xf32>
      %add3A_446 = vector.broadcast %scan3A_410 : i32 to vector<16xi32>
      %add3A_447 = arith.addi %get3A_287, %add3A_446 : vector<16xi32>
      %gather3A_448 = tpu.vector_load_idx %arg15[%broadcast_in_dim3A_49, %add3A_60, %add3A_447] : memref<2x128x128xf32, #tpu.memory_space<vmem>>[vector<16xi32>, vector<16xi32>, vector<16xi32>], vector<16xf32>,
      %add3A_449 = vector.broadcast %scan3A_410 : i32 to vector<16xi32>
      %add3A_450 = arith.addi %get3A_303, %add3A_449 : vector<16xi32>
      %gather3A_451 = tpu.vector_load_idx %arg16[%broadcast_in_dim3A_49, %add3A_60, %add3A_450] : memref<2x128x128xf32, #tpu.memory_space<vmem>>[vector<16xi32>, vector<16xi32>, vector<16xi32>], vector<16xf32>,
      %mul3A_452 = arith.mulf %gather3A_448, %get3A_421 : vector<16xf32>
      %add3A_453 = arith.addf %scan3A_413, %mul3A_452 : vector<16xf32>
      %mul3A_454 = arith.mulf %gather3A_451, %get3A_426 : vector<16xf32>
      %add3A_455 = arith.addf %add3A_453, %mul3A_454 : vector<16xf32>
      %add3A_456 = vector.broadcast %scan3A_410 : i32 to vector<16xi32>
      %add3A_457 = arith.addi %get3A_289, %add3A_456 : vector<16xi32>
      %gather3A_458 = tpu.vector_load_idx %arg15[%broadcast_in_dim3A_49, %add3A_63, %add3A_457] : memref<2x128x128xf32, #tpu.memory_space<vmem>>[vector<16xi32>, vector<16xi32>, vector<16xi32>], vector<16xf32>,
      %add3A_459 = vector.broadcast %scan3A_410 : i32 to vector<16xi32>
      %add3A_460 = arith.addi %get3A_305, %add3A_459 : vector<16xi32>
      %gather3A_461 = tpu.vector_load_idx %arg16[%broadcast_in_dim3A_49, %add3A_63, %add3A_460] : memref<2x128x128xf32, #tpu.memory_space<vmem>>[vector<16xi32>, vector<16xi32>, vector<16xi32>], vector<16xf32>,
      %mul3A_462 = arith.mulf %gather3A_458, %get3A_421 : vector<16xf32>
      %add3A_463 = arith.addf %scan3A_414, %mul3A_462 : vector<16xf32>
      %mul3A_464 = arith.mulf %gather3A_461, %get3A_426 : vector<16xf32>
      %add3A_465 = arith.addf %add3A_463, %mul3A_464 : vector<16xf32>
      %add3A_466 = vector.broadcast %scan3A_410 : i32 to vector<16xi32>
      %add3A_467 = arith.addi %get3A_291, %add3A_466 : vector<16xi32>
      %gather3A_468 = tpu.vector_load_idx %arg15[%broadcast_in_dim3A_49, %add3A_66, %add3A_467] : memref<2x128x128xf32, #tpu.memory_space<vmem>>[vector<16xi32>, vector<16xi32>, vector<16xi32>], vector<16xf32>,
      %add3A_469 = vector.broadcast %scan3A_410 : i32 to vector<16xi32>
      %add3A_470 = arith.addi %get3A_307, %add3A_469 : vector<16xi32>
      %gather3A_471 = tpu.vector_load_idx %arg16[%broadcast_in_dim3A_49, %add3A_66, %add3A_470] : memref<2x128x128xf32, #tpu.memory_space<vmem>>[vector<16xi32>, vector<16xi32>, vector<16xi32>], vector<16xf32>,
      %mul3A_472 = arith.mulf %gather3A_468, %get3A_421 : vector<16xf32>
      %add3A_473 = arith.addf %scan3A_415, %mul3A_472 : vector<16xf32>
      %mul3A_474 = arith.mulf %gather3A_471, %get3A_426 : vector<16xf32>
      %add3A_475 = arith.addf %add3A_473, %mul3A_474 : vector<16xf32>
      %add3A_476 = vector.broadcast %scan3A_410 : i32 to vector<16xi32>
      %add3A_477 = arith.addi %get3A_293, %add3A_476 : vector<16xi32>
      %gather3A_478 = tpu.vector_load_idx %arg15[%broadcast_in_dim3A_49, %add3A_69, %add3A_477] : memref<2x128x128xf32, #tpu.memory_space<vmem>>[vector<16xi32>, vector<16xi32>, vector<16xi32>], vector<16xf32>,
      %add3A_479 = vector.broadcast %scan3A_410 : i32 to vector<16xi32>
      %add3A_480 = arith.addi %get3A_309, %add3A_479 : vector<16xi32>
      %gather3A_481 = tpu.vector_load_idx %arg16[%broadcast_in_dim3A_49, %add3A_69, %add3A_480] : memref<2x128x128xf32, #tpu.memory_space<vmem>>[vector<16xi32>, vector<16xi32>, vector<16xi32>], vector<16xf32>,
      %mul3A_482 = arith.mulf %gather3A_478, %get3A_421 : vector<16xf32>
      %add3A_483 = arith.addf %scan3A_416, %mul3A_482 : vector<16xf32>
      %mul3A_484 = arith.mulf %gather3A_481, %get3A_426 : vector<16xf32>
      %add3A_485 = arith.addf %add3A_483, %mul3A_484 : vector<16xf32>
      %add3A_486 = vector.broadcast %scan3A_410 : i32 to vector<16xi32>
      %add3A_487 = arith.addi %get3A_295, %add3A_486 : vector<16xi32>
      %gather3A_488 = tpu.vector_load_idx %arg15[%broadcast_in_dim3A_49, %add3A_72, %add3A_487] : memref<2x128x128xf32, #tpu.memory_space<vmem>>[vector<16xi32>, vector<16xi32>, vector<16xi32>], vector<16xf32>,
      %add3A_489 = vector.broadcast %scan3A_410 : i32 to vector<16xi32>
      %add3A_490 = arith.addi %get3A_311, %add3A_489 : vector<16xi32>
      %gather3A_491 = tpu.vector_load_idx %arg16[%broadcast_in_dim3A_49, %add3A_72, %add3A_490] : memref<2x128x128xf32, #tpu.memory_space<vmem>>[vector<16xi32>, vector<16xi32>, vector<16xi32>], vector<16xf32>,
      %mul3A_492 = arith.mulf %gather3A_488, %get3A_421 : vector<16xf32>
      %add3A_493 = arith.addf %scan3A_417, %mul3A_492 : vector<16xf32>
      %mul3A_494 = arith.mulf %gather3A_491, %get3A_426 : vector<16xf32>
      %add3A_495 = arith.addf %add3A_493, %mul3A_494 : vector<16xf32>
      %add3A_496 = vector.broadcast %scan3A_410 : i32 to vector<16xi32>
      %add3A_497 = arith.addi %get3A_297, %add3A_496 : vector<16xi32>
      %gather3A_498 = tpu.vector_load_idx %arg15[%broadcast_in_dim3A_49, %add3A_75, %add3A_497] : memref<2x128x128xf32, #tpu.memory_space<vmem>>[vector<16xi32>, vector<16xi32>, vector<16xi32>], vector<16xf32>,
      %add3A_499 = vector.broadcast %scan3A_410 : i32 to vector<16xi32>
      %add3A_500 = arith.addi %get3A_313, %add3A_499 : vector<16xi32>
      %gather3A_501 = tpu.vector_load_idx %arg16[%broadcast_in_dim3A_49, %add3A_75, %add3A_500] : memref<2x128x128xf32, #tpu.memory_space<vmem>>[vector<16xi32>, vector<16xi32>, vector<16xi32>], vector<16xf32>,
      %mul3A_502 = arith.mulf %gather3A_498, %get3A_421 : vector<16xf32>
      %add3A_503 = arith.addf %scan3A_418, %mul3A_502 : vector<16xf32>
      %mul3A_504 = arith.mulf %gather3A_501, %get3A_426 : vector<16xf32>
      %add3A_505 = arith.addf %add3A_503, %mul3A_504 : vector<16xf32>
      scf.yield %add3A_435, %add3A_445, %add3A_455, %add3A_465, %add3A_475, %add3A_485, %add3A_495, %add3A_505 : vector<16xf32>, vector<16xf32>, vector<16xf32>, vector<16xf32>, vector<16xf32>, vector<16xf32>, vector<16xf32>, vector<16xf32>
    }
    %scan3A_319 = arith.constant 32 : i32
    %swap3A_320 = arith.constant 256 : index
    %swap3A_321 = tpu.vector_load %arg19[%swap3A_320] {strides = array<i32>} : memref<512xf32, #tpu.memory_space<vmem>>, vector<16xf32>,
    tpu.vector_store %arg19[%swap3A_320], %scan3A_318#0 {strides = array<i32>} : memref<512xf32, #tpu.memory_space<vmem>>, vector<16xf32>,
    %swap3A_322 = arith.constant 272 : index
    %swap3A_323 = tpu.vector_load %arg19[%swap3A_322] {strides = array<i32>} : memref<512xf32, #tpu.memory_space<vmem>>, vector<16xf32>,
    tpu.vector_store %arg19[%swap3A_322], %scan3A_318#1 {strides = array<i32>} : memref<512xf32, #tpu.memory_space<vmem>>, vector<16xf32>,
    %swap3A_324 = arith.constant 288 : index
    %swap3A_325 = tpu.vector_load %arg19[%swap3A_324] {strides = array<i32>} : memref<512xf32, #tpu.memory_space<vmem>>, vector<16xf32>,
    tpu.vector_store %arg19[%swap3A_324], %scan3A_318#2 {strides = array<i32>} : memref<512xf32, #tpu.memory_space<vmem>>, vector<16xf32>,
    %swap3A_326 = arith.constant 304 : index
    %swap3A_327 = tpu.vector_load %arg19[%swap3A_326] {strides = array<i32>} : memref<512xf32, #tpu.memory_space<vmem>>, vector<16xf32>,
    tpu.vector_store %arg19[%swap3A_326], %scan3A_318#3 {strides = array<i32>} : memref<512xf32, #tpu.memory_space<vmem>>, vector<16xf32>,
    %swap3A_328 = arith.constant 320 : index
    %swap3A_329 = tpu.vector_load %arg19[%swap3A_328] {strides = array<i32>} : memref<512xf32, #tpu.memory_space<vmem>>, vector<16xf32>,
    tpu.vector_store %arg19[%swap3A_328], %scan3A_318#4 {strides = array<i32>} : memref<512xf32, #tpu.memory_space<vmem>>, vector<16xf32>,
    %swap3A_330 = arith.constant 336 : index
    %swap3A_331 = tpu.vector_load %arg19[%swap3A_330] {strides = array<i32>} : memref<512xf32, #tpu.memory_space<vmem>>, vector<16xf32>,
    tpu.vector_store %arg19[%swap3A_330], %scan3A_318#5 {strides = array<i32>} : memref<512xf32, #tpu.memory_space<vmem>>, vector<16xf32>,
    %swap3A_332 = arith.constant 352 : index
    %swap3A_333 = tpu.vector_load %arg19[%swap3A_332] {strides = array<i32>} : memref<512xf32, #tpu.memory_space<vmem>>, vector<16xf32>,
    tpu.vector_store %arg19[%swap3A_332], %scan3A_318#6 {strides = array<i32>} : memref<512xf32, #tpu.memory_space<vmem>>, vector<16xf32>,
    %swap3A_334 = arith.constant 368 : index
    %swap3A_335 = tpu.vector_load %arg19[%swap3A_334] {strides = array<i32>} : memref<512xf32, #tpu.memory_space<vmem>>, vector<16xf32>,
    tpu.vector_store %arg19[%swap3A_334], %scan3A_318#7 {strides = array<i32>} : memref<512xf32, #tpu.memory_space<vmem>>, vector<16xf32>,
    %dma_wait3A_336 = arith.constant 1 : i32
    %dma_wait3A_337 = arith.constant 0 : i32
    %dma_wait3A_338 = arith.constant 0 : i32
    %dma_wait3A_339 = tpu.memref_slice %arg15[%dma_wait3A_336, %dma_wait3A_337, %dma_wait3A_338] : memref<2x128x128xf32, #tpu.memory_space<vmem>> -> memref<1x128x128xf32, #tpu.memory_space<vmem>>
    %dma_wait3A_340 = tpu.memref_squeeze %dma_wait3A_339 : memref<1x128x128xf32, #tpu.memory_space<vmem>> -> memref<128x128xf32, #tpu.memory_space<vmem>>
    %dma_wait3A_341 = arith.constant 384 : i32
    %dma_wait3A_342 = tpu.memref_slice %arg11[%dma_wait3A_341] : memref<512xi32, #tpu.memory_space<vmem>> -> memref<128xi32, #tpu.memory_space<vmem>>
    %dma_wait3A_343 = arith.constant 0 : i32
    %dma_wait3A_344 = arith.constant 0 : i32
    %dma_wait3A_345 = tpu.memref_slice %arg4[%dma_wait3A_343, %dma_wait3A_344] : memref<250000x128xf32, #tpu.memory_space<hbm>> -> memref<250000x128xf32, #tpu.memory_space<hbm>>
    tpu.wait_indirect_dma semaphore(%arg20 : memref<!tpu.dma_semaphore, #tpu.memory_space<semaphore_mem>>) src(%dma_wait3A_345 : memref<250000x128xf32, #tpu.memory_space<hbm>>) dst(%dma_wait3A_340 : memref<128x128xf32, #tpu.memory_space<vmem>>)
    %dma_wait3A_346 = arith.constant 1 : i32
    %dma_wait3A_347 = arith.constant 0 : i32
    %dma_wait3A_348 = arith.constant 0 : i32
    %dma_wait3A_349 = tpu.memref_slice %arg16[%dma_wait3A_346, %dma_wait3A_347, %dma_wait3A_348] : memref<2x128x128xf32, #tpu.memory_space<vmem>> -> memref<1x128x128xf32, #tpu.memory_space<vmem>>
    %dma_wait3A_350 = tpu.memref_squeeze %dma_wait3A_349 : memref<1x128x128xf32, #tpu.memory_space<vmem>> -> memref<128x128xf32, #tpu.memory_space<vmem>>
    %dma_wait3A_351 = arith.constant 384 : i32
    %dma_wait3A_352 = tpu.memref_slice %arg12[%dma_wait3A_351] : memref<512xi32, #tpu.memory_space<vmem>> -> memref<128xi32, #tpu.memory_space<vmem>>
    %dma_wait3A_353 = arith.constant 0 : i32
    %dma_wait3A_354 = arith.constant 0 : i32
    %dma_wait3A_355 = tpu.memref_slice %arg5[%dma_wait3A_353, %dma_wait3A_354] : memref<250000x128xf32, #tpu.memory_space<hbm>> -> memref<250000x128xf32, #tpu.memory_space<hbm>>
    tpu.wait_indirect_dma semaphore(%arg21 : memref<!tpu.dma_semaphore, #tpu.memory_space<semaphore_mem>>) src(%dma_wait3A_355 : memref<250000x128xf32, #tpu.memory_space<hbm>>) dst(%dma_wait3A_350 : memref<128x128xf32, #tpu.memory_space<vmem>>)
    %get3A_356 = arith.constant 384 : index
    %get3A_357 = tpu.vector_load %arg13[%get3A_356] {strides = array<i32>} : memref<512xi32, #tpu.memory_space<vmem>>, vector<16xi32>,
    %get3A_358 = arith.constant 400 : index
    %get3A_359 = tpu.vector_load %arg13[%get3A_358] {strides = array<i32>} : memref<512xi32, #tpu.memory_space<vmem>>, vector<16xi32>,
    %get3A_360 = arith.constant 416 : index
    %get3A_361 = tpu.vector_load %arg13[%get3A_360] {strides = array<i32>} : memref<512xi32, #tpu.memory_space<vmem>>, vector<16xi32>,
    %get3A_362 = arith.constant 432 : index
    %get3A_363 = tpu.vector_load %arg13[%get3A_362] {strides = array<i32>} : memref<512xi32, #tpu.memory_space<vmem>>, vector<16xi32>,
    %get3A_364 = arith.constant 448 : index
    %get3A_365 = tpu.vector_load %arg13[%get3A_364] {strides = array<i32>} : memref<512xi32, #tpu.memory_space<vmem>>, vector<16xi32>,
    %get3A_366 = arith.constant 464 : index
    %get3A_367 = tpu.vector_load %arg13[%get3A_366] {strides = array<i32>} : memref<512xi32, #tpu.memory_space<vmem>>, vector<16xi32>,
    %get3A_368 = arith.constant 480 : index
    %get3A_369 = tpu.vector_load %arg13[%get3A_368] {strides = array<i32>} : memref<512xi32, #tpu.memory_space<vmem>>, vector<16xi32>,
    %get3A_370 = arith.constant 496 : index
    %get3A_371 = tpu.vector_load %arg13[%get3A_370] {strides = array<i32>} : memref<512xi32, #tpu.memory_space<vmem>>, vector<16xi32>,
    %get3A_372 = arith.constant 384 : index
    %get3A_373 = tpu.vector_load %arg14[%get3A_372] {strides = array<i32>} : memref<512xi32, #tpu.memory_space<vmem>>, vector<16xi32>,
    %get3A_374 = arith.constant 400 : index
    %get3A_375 = tpu.vector_load %arg14[%get3A_374] {strides = array<i32>} : memref<512xi32, #tpu.memory_space<vmem>>, vector<16xi32>,
    %get3A_376 = arith.constant 416 : index
    %get3A_377 = tpu.vector_load %arg14[%get3A_376] {strides = array<i32>} : memref<512xi32, #tpu.memory_space<vmem>>, vector<16xi32>,
    %get3A_378 = arith.constant 432 : index
    %get3A_379 = tpu.vector_load %arg14[%get3A_378] {strides = array<i32>} : memref<512xi32, #tpu.memory_space<vmem>>, vector<16xi32>,
    %get3A_380 = arith.constant 448 : index
    %get3A_381 = tpu.vector_load %arg14[%get3A_380] {strides = array<i32>} : memref<512xi32, #tpu.memory_space<vmem>>, vector<16xi32>,
    %get3A_382 = arith.constant 464 : index
    %get3A_383 = tpu.vector_load %arg14[%get3A_382] {strides = array<i32>} : memref<512xi32, #tpu.memory_space<vmem>>, vector<16xi32>,
    %get3A_384 = arith.constant 480 : index
    %get3A_385 = tpu.vector_load %arg14[%get3A_384] {strides = array<i32>} : memref<512xi32, #tpu.memory_space<vmem>>, vector<16xi32>,
    %get3A_386 = arith.constant 496 : index
    %get3A_387 = tpu.vector_load %arg14[%get3A_386] {strides = array<i32>} : memref<512xi32, #tpu.memory_space<vmem>>, vector<16xi32>,
    %scan3A_388 = arith.constant 0 : i32
    %scan3A_389 = arith.constant 32 : i32
    %scan3A_390 = arith.addi %scan3A_388, %scan3A_389 : i32
    %scan3A_391 = arith.constant 1 : i32
    %scan3A_392:8 = scf.for %scan3A_410 = %scan3A_388 to %scan3A_390 step %scan3A_391 iter_args(%scan3A_411 = %get3A_48, %scan3A_412 = %get3A_48, %scan3A_413 = %get3A_48, %scan3A_414 = %get3A_48, %scan3A_415 = %get3A_48, %scan3A_416 = %get3A_48, %scan3A_417 = %get3A_48, %scan3A_418 = %get3A_48) -> (vector<16xf32>, vector<16xf32>, vector<16xf32>, vector<16xf32>, vector<16xf32>, vector<16xf32>, vector<16xf32>, vector<16xf32>)  : i32 {
      %get3A_419 = arith.index_cast %scan3A_410 : i32 to index
      %get3A_420 = arith.constant 0 : index
      %get3A_421 = tpu.vector_load %arg17[%get3A_419, %get3A_420] {strides = array<i32>} : memref<64x16xf32, #tpu.memory_space<vmem>>, vector<16xf32>,
      %add3A_422 = arith.constant 32 : i32
      %add3A_423 = arith.addi %scan3A_410, %add3A_422 : i32
      %get3A_424 = arith.index_cast %add3A_423 : i32 to index
      %get3A_425 = arith.constant 0 : index
      %get3A_426 = tpu.vector_load %arg17[%get3A_424, %get3A_425] {strides = array<i32>} : memref<64x16xf32, #tpu.memory_space<vmem>>, vector<16xf32>,
      %add3A_427 = vector.broadcast %scan3A_410 : i32 to vector<16xi32>
      %add3A_428 = arith.addi %get3A_357, %add3A_427 : vector<16xi32>
      %gather3A = tpu.vector_load_idx %arg15[%broadcast_in_dim3A_51, %add3A_54, %add3A_428] : memref<2x128x128xf32, #tpu.memory_space<vmem>>[vector<16xi32>, vector<16xi32>, vector<16xi32>], vector<16xf32>,
      %add3A_429 = vector.broadcast %scan3A_410 : i32 to vector<16xi32>
      %add3A_430 = arith.addi %get3A_373, %add3A_429 : vector<16xi32>
      %gather3A_431 = tpu.vector_load_idx %arg16[%broadcast_in_dim3A_51, %add3A_54, %add3A_430] : memref<2x128x128xf32, #tpu.memory_space<vmem>>[vector<16xi32>, vector<16xi32>, vector<16xi32>], vector<16xf32>,
      %mul3A_432 = arith.mulf %gather3A, %get3A_421 : vector<16xf32>
      %add3A_433 = arith.addf %scan3A_411, %mul3A_432 : vector<16xf32>
      %mul3A_434 = arith.mulf %gather3A_431, %get3A_426 : vector<16xf32>
      %add3A_435 = arith.addf %add3A_433, %mul3A_434 : vector<16xf32>
      %add3A_436 = vector.broadcast %scan3A_410 : i32 to vector<16xi32>
      %add3A_437 = arith.addi %get3A_359, %add3A_436 : vector<16xi32>
      %gather3A_438 = tpu.vector_load_idx %arg15[%broadcast_in_dim3A_51, %add3A_57, %add3A_437] : memref<2x128x128xf32, #tpu.memory_space<vmem>>[vector<16xi32>, vector<16xi32>, vector<16xi32>], vector<16xf32>,
      %add3A_439 = vector.broadcast %scan3A_410 : i32 to vector<16xi32>
      %add3A_440 = arith.addi %get3A_375, %add3A_439 : vector<16xi32>
      %gather3A_441 = tpu.vector_load_idx %arg16[%broadcast_in_dim3A_51, %add3A_57, %add3A_440] : memref<2x128x128xf32, #tpu.memory_space<vmem>>[vector<16xi32>, vector<16xi32>, vector<16xi32>], vector<16xf32>,
      %mul3A_442 = arith.mulf %gather3A_438, %get3A_421 : vector<16xf32>
      %add3A_443 = arith.addf %scan3A_412, %mul3A_442 : vector<16xf32>
      %mul3A_444 = arith.mulf %gather3A_441, %get3A_426 : vector<16xf32>
      %add3A_445 = arith.addf %add3A_443, %mul3A_444 : vector<16xf32>
      %add3A_446 = vector.broadcast %scan3A_410 : i32 to vector<16xi32>
      %add3A_447 = arith.addi %get3A_361, %add3A_446 : vector<16xi32>
      %gather3A_448 = tpu.vector_load_idx %arg15[%broadcast_in_dim3A_51, %add3A_60, %add3A_447] : memref<2x128x128xf32, #tpu.memory_space<vmem>>[vector<16xi32>, vector<16xi32>, vector<16xi32>], vector<16xf32>,
      %add3A_449 = vector.broadcast %scan3A_410 : i32 to vector<16xi32>
      %add3A_450 = arith.addi %get3A_377, %add3A_449 : vector<16xi32>
      %gather3A_451 = tpu.vector_load_idx %arg16[%broadcast_in_dim3A_51, %add3A_60, %add3A_450] : memref<2x128x128xf32, #tpu.memory_space<vmem>>[vector<16xi32>, vector<16xi32>, vector<16xi32>], vector<16xf32>,
      %mul3A_452 = arith.mulf %gather3A_448, %get3A_421 : vector<16xf32>
      %add3A_453 = arith.addf %scan3A_413, %mul3A_452 : vector<16xf32>
      %mul3A_454 = arith.mulf %gather3A_451, %get3A_426 : vector<16xf32>
      %add3A_455 = arith.addf %add3A_453, %mul3A_454 : vector<16xf32>
      %add3A_456 = vector.broadcast %scan3A_410 : i32 to vector<16xi32>
      %add3A_457 = arith.addi %get3A_363, %add3A_456 : vector<16xi32>
      %gather3A_458 = tpu.vector_load_idx %arg15[%broadcast_in_dim3A_51, %add3A_63, %add3A_457] : memref<2x128x128xf32, #tpu.memory_space<vmem>>[vector<16xi32>, vector<16xi32>, vector<16xi32>], vector<16xf32>,
      %add3A_459 = vector.broadcast %scan3A_410 : i32 to vector<16xi32>
      %add3A_460 = arith.addi %get3A_379, %add3A_459 : vector<16xi32>
      %gather3A_461 = tpu.vector_load_idx %arg16[%broadcast_in_dim3A_51, %add3A_63, %add3A_460] : memref<2x128x128xf32, #tpu.memory_space<vmem>>[vector<16xi32>, vector<16xi32>, vector<16xi32>], vector<16xf32>,
      %mul3A_462 = arith.mulf %gather3A_458, %get3A_421 : vector<16xf32>
      %add3A_463 = arith.addf %scan3A_414, %mul3A_462 : vector<16xf32>
      %mul3A_464 = arith.mulf %gather3A_461, %get3A_426 : vector<16xf32>
      %add3A_465 = arith.addf %add3A_463, %mul3A_464 : vector<16xf32>
      %add3A_466 = vector.broadcast %scan3A_410 : i32 to vector<16xi32>
      %add3A_467 = arith.addi %get3A_365, %add3A_466 : vector<16xi32>
      %gather3A_468 = tpu.vector_load_idx %arg15[%broadcast_in_dim3A_51, %add3A_66, %add3A_467] : memref<2x128x128xf32, #tpu.memory_space<vmem>>[vector<16xi32>, vector<16xi32>, vector<16xi32>], vector<16xf32>,
      %add3A_469 = vector.broadcast %scan3A_410 : i32 to vector<16xi32>
      %add3A_470 = arith.addi %get3A_381, %add3A_469 : vector<16xi32>
      %gather3A_471 = tpu.vector_load_idx %arg16[%broadcast_in_dim3A_51, %add3A_66, %add3A_470] : memref<2x128x128xf32, #tpu.memory_space<vmem>>[vector<16xi32>, vector<16xi32>, vector<16xi32>], vector<16xf32>,
      %mul3A_472 = arith.mulf %gather3A_468, %get3A_421 : vector<16xf32>
      %add3A_473 = arith.addf %scan3A_415, %mul3A_472 : vector<16xf32>
      %mul3A_474 = arith.mulf %gather3A_471, %get3A_426 : vector<16xf32>
      %add3A_475 = arith.addf %add3A_473, %mul3A_474 : vector<16xf32>
      %add3A_476 = vector.broadcast %scan3A_410 : i32 to vector<16xi32>
      %add3A_477 = arith.addi %get3A_367, %add3A_476 : vector<16xi32>
      %gather3A_478 = tpu.vector_load_idx %arg15[%broadcast_in_dim3A_51, %add3A_69, %add3A_477] : memref<2x128x128xf32, #tpu.memory_space<vmem>>[vector<16xi32>, vector<16xi32>, vector<16xi32>], vector<16xf32>,
      %add3A_479 = vector.broadcast %scan3A_410 : i32 to vector<16xi32>
      %add3A_480 = arith.addi %get3A_383, %add3A_479 : vector<16xi32>
      %gather3A_481 = tpu.vector_load_idx %arg16[%broadcast_in_dim3A_51, %add3A_69, %add3A_480] : memref<2x128x128xf32, #tpu.memory_space<vmem>>[vector<16xi32>, vector<16xi32>, vector<16xi32>], vector<16xf32>,
      %mul3A_482 = arith.mulf %gather3A_478, %get3A_421 : vector<16xf32>
      %add3A_483 = arith.addf %scan3A_416, %mul3A_482 : vector<16xf32>
      %mul3A_484 = arith.mulf %gather3A_481, %get3A_426 : vector<16xf32>
      %add3A_485 = arith.addf %add3A_483, %mul3A_484 : vector<16xf32>
      %add3A_486 = vector.broadcast %scan3A_410 : i32 to vector<16xi32>
      %add3A_487 = arith.addi %get3A_369, %add3A_486 : vector<16xi32>
      %gather3A_488 = tpu.vector_load_idx %arg15[%broadcast_in_dim3A_51, %add3A_72, %add3A_487] : memref<2x128x128xf32, #tpu.memory_space<vmem>>[vector<16xi32>, vector<16xi32>, vector<16xi32>], vector<16xf32>,
      %add3A_489 = vector.broadcast %scan3A_410 : i32 to vector<16xi32>
      %add3A_490 = arith.addi %get3A_385, %add3A_489 : vector<16xi32>
      %gather3A_491 = tpu.vector_load_idx %arg16[%broadcast_in_dim3A_51, %add3A_72, %add3A_490] : memref<2x128x128xf32, #tpu.memory_space<vmem>>[vector<16xi32>, vector<16xi32>, vector<16xi32>], vector<16xf32>,
      %mul3A_492 = arith.mulf %gather3A_488, %get3A_421 : vector<16xf32>
      %add3A_493 = arith.addf %scan3A_417, %mul3A_492 : vector<16xf32>
      %mul3A_494 = arith.mulf %gather3A_491, %get3A_426 : vector<16xf32>
      %add3A_495 = arith.addf %add3A_493, %mul3A_494 : vector<16xf32>
      %add3A_496 = vector.broadcast %scan3A_410 : i32 to vector<16xi32>
      %add3A_497 = arith.addi %get3A_371, %add3A_496 : vector<16xi32>
      %gather3A_498 = tpu.vector_load_idx %arg15[%broadcast_in_dim3A_51, %add3A_75, %add3A_497] : memref<2x128x128xf32, #tpu.memory_space<vmem>>[vector<16xi32>, vector<16xi32>, vector<16xi32>], vector<16xf32>,
      %add3A_499 = vector.broadcast %scan3A_410 : i32 to vector<16xi32>
      %add3A_500 = arith.addi %get3A_387, %add3A_499 : vector<16xi32>
      %gather3A_501 = tpu.vector_load_idx %arg16[%broadcast_in_dim3A_51, %add3A_75, %add3A_500] : memref<2x128x128xf32, #tpu.memory_space<vmem>>[vector<16xi32>, vector<16xi32>, vector<16xi32>], vector<16xf32>,
      %mul3A_502 = arith.mulf %gather3A_498, %get3A_421 : vector<16xf32>
      %add3A_503 = arith.addf %scan3A_418, %mul3A_502 : vector<16xf32>
      %mul3A_504 = arith.mulf %gather3A_501, %get3A_426 : vector<16xf32>
      %add3A_505 = arith.addf %add3A_503, %mul3A_504 : vector<16xf32>
      scf.yield %add3A_435, %add3A_445, %add3A_455, %add3A_465, %add3A_475, %add3A_485, %add3A_495, %add3A_505 : vector<16xf32>, vector<16xf32>, vector<16xf32>, vector<16xf32>, vector<16xf32>, vector<16xf32>, vector<16xf32>, vector<16xf32>
    }
    %scan3A_393 = arith.constant 32 : i32
    %swap3A_394 = arith.constant 384 : index
    %swap3A_395 = tpu.vector_load %arg19[%swap3A_394] {strides = array<i32>} : memref<512xf32, #tpu.memory_space<vmem>>, vector<16xf32>,
    tpu.vector_store %arg19[%swap3A_394], %scan3A_392#0 {strides = array<i32>} : memref<512xf32, #tpu.memory_space<vmem>>, vector<16xf32>,
    %swap3A_396 = arith.constant 400 : index
    %swap3A_397 = tpu.vector_load %arg19[%swap3A_396] {strides = array<i32>} : memref<512xf32, #tpu.memory_space<vmem>>, vector<16xf32>,
    tpu.vector_store %arg19[%swap3A_396], %scan3A_392#1 {strides = array<i32>} : memref<512xf32, #tpu.memory_space<vmem>>, vector<16xf32>,
    %swap3A_398 = arith.constant 416 : index
    %swap3A_399 = tpu.vector_load %arg19[%swap3A_398] {strides = array<i32>} : memref<512xf32, #tpu.memory_space<vmem>>, vector<16xf32>,
    tpu.vector_store %arg19[%swap3A_398], %scan3A_392#2 {strides = array<i32>} : memref<512xf32, #tpu.memory_space<vmem>>, vector<16xf32>,
    %swap3A_400 = arith.constant 432 : index
    %swap3A_401 = tpu.vector_load %arg19[%swap3A_400] {strides = array<i32>} : memref<512xf32, #tpu.memory_space<vmem>>, vector<16xf32>,
    tpu.vector_store %arg19[%swap3A_400], %scan3A_392#3 {strides = array<i32>} : memref<512xf32, #tpu.memory_space<vmem>>, vector<16xf32>,
    %swap3A_402 = arith.constant 448 : index
    %swap3A_403 = tpu.vector_load %arg19[%swap3A_402] {strides = array<i32>} : memref<512xf32, #tpu.memory_space<vmem>>, vector<16xf32>,
    tpu.vector_store %arg19[%swap3A_402], %scan3A_392#4 {strides = array<i32>} : memref<512xf32, #tpu.memory_space<vmem>>, vector<16xf32>,
    %swap3A_404 = arith.constant 464 : index
    %swap3A_405 = tpu.vector_load %arg19[%swap3A_404] {strides = array<i32>} : memref<512xf32, #tpu.memory_space<vmem>>, vector<16xf32>,
    tpu.vector_store %arg19[%swap3A_404], %scan3A_392#5 {strides = array<i32>} : memref<512xf32, #tpu.memory_space<vmem>>, vector<16xf32>,
    %swap3A_406 = arith.constant 480 : index
    %swap3A_407 = tpu.vector_load %arg19[%swap3A_406] {strides = array<i32>} : memref<512xf32, #tpu.memory_space<vmem>>, vector<16xf32>,
    tpu.vector_store %arg19[%swap3A_406], %scan3A_392#6 {strides = array<i32>} : memref<512xf32, #tpu.memory_space<vmem>>, vector<16xf32>,
    %swap3A_408 = arith.constant 496 : index
    %swap3A_409 = tpu.vector_load %arg19[%swap3A_408] {strides = array<i32>} : memref<512xf32, #tpu.memory_space<vmem>>, vector<16xf32>,
    tpu.vector_store %arg19[%swap3A_408], %scan3A_392#7 {strides = array<i32>} : memref<512xf32, #tpu.memory_space<vmem>>, vector<16xf32>,
    "tpu.region"() ({
      %run_scoped3A = tpu.sem_alloc : memref<!tpu.dma_semaphore, #tpu.memory_space<semaphore_mem>>
      %dma_start3A_410 = tpu.memref_slice %arg8[%mul3A_2] : memref<16384xf32, #tpu.memory_space<hbm>> -> memref<512xf32, #tpu.memory_space<hbm>>
      %dma_start3A_411 = tpu.memref_slice %arg8[%mul3A_2] : memref<16384xf32, #tpu.memory_space<hbm>> -> memref<512xf32, #tpu.memory_space<hbm>>
      tpu.enqueue_dma source(%arg19 : memref<512xf32, #tpu.memory_space<vmem>>) target(%dma_start3A_411 : memref<512xf32, #tpu.memory_space<hbm>>) target_semaphore(%run_scoped3A : memref<!tpu.dma_semaphore, #tpu.memory_space<semaphore_mem>>)
      %dma_wait3A_412 = tpu.memref_slice %arg8[%mul3A_2] : memref<16384xf32, #tpu.memory_space<hbm>> -> memref<512xf32, #tpu.memory_space<hbm>>
      %dma_wait3A_413 = tpu.memref_slice %arg8[%mul3A_2] : memref<16384xf32, #tpu.memory_space<hbm>> -> memref<512xf32, #tpu.memory_space<hbm>>
      tpu.wait_dma2 semaphore(%run_scoped3A : memref<!tpu.dma_semaphore, #tpu.memory_space<semaphore_mem>>) src(%arg19 : memref<512xf32, #tpu.memory_space<vmem>>) dst(%dma_wait3A_413 : memref<512xf32, #tpu.memory_space<hbm>>)
      tpu.yield
    }) : () -> ()
    return
  }
}

</mosaic_0001>

<sc_bundles>
// kernel: kernel.3.cloned.1.call-start
scs
__scs_entry_jumppad:
0x0: {  	(pc) =	sbr.rel $0x88, $3  }
0x1: {  	(tag) =	ssettag $0x0;
	lr =	simm.s32 $0x1  }
0x2: {  	[smem:$0x3F9B] =	sst lr;
	_ =	strace $0xD0000000  }
0x3: {  	_ = 	snop  }
0x4: {  	_ = 	snop  }
0x5: {  	_ = 	snop  }
0x6: {  	_ = 	snop  }
0x7: {  	_ = 	snop  }
__scs_overlays_trampoline_lowered:
0x8: {  	[smem:$0x3FAA] =	sst s0  }
0x9: {  	[smem:$0x3FAB] =	sst s1  }
0xa: {  	[smem:$0x3FAC] =	sst s2  }
0xb: {  	[smem:$0x3FAD] =	sst s3  }
0xc: {  	[smem:$0x3FAE] =	sst s4  }
0xd: {  	[smem:$0x3FAF] =	sst s5  }
0xe: {  	[smem:$0x3FB0] =	sst s6  }
0xf: {  	[smem:$0x3FB1] =	sst s7  }
0x10: {  	[smem:$0x3FB2] =	sst s8  }
0x11: {  	[smem:$0x3FB3] =	sst s9;
	s0 =	simm.s32 @!p0 $0x0  }
0x12: {  	s1 =	sld [smem:$0x3F99];
	s0 =	simm.s32 @p0 $0x1  }
0x13: {  	[smem:$0x3FB4] =	sst s0;
	s0 =	simm.s32 @!p1 $0x0  }
0x14: {  	s2 =	sld [smem:$0x3F98];
	s0 =	simm.s32 @p1 $0x1  }
0x15: {  	[smem:$0x3FB5] =	sst s0;
	s0 =	simm.s32 @!p2 $0x0  }
0x16: {  	s3 =	sld [smem:$0x3FDB];
	s0 =	simm.s32 @p2 $0x1  }
0x17: {  	s4 =	simm.s32 $0x1BF5;
	[smem:$0x3FB7] =	sst s0  }
0x18: {  	s0 =	sld [smem:$0x3F9A];
	_ =	swait.ge [sflag:s4], $0x0  }
0x19: {  	s7 =	sld [smem:$0x3F9B]  }
0x1a: {  	s8 =	sadd.s32 $0xFFFFE003, lr  }
0x1b: {  	s9 =	sadd.s32 $0xFFFFFEF7, lr;
	s5 =	simm.s32 $0xFFFFFFFF;
	p2 =	slt.u32 s8, $0xFFFFF086  }
0x1c: {  	p1 =	slt.u32 s9, $0xF7A;
	s5 =	simm.s32 @!p2 $0x0  }
0x1d: {  	s5 =	simm.s32 @p1 $0x1;
	p0 =	seq.s32 s7, s2  }
0x1e: {  	s7 =	smul.u32 @!p0 $0xF7A, s2;
	p2 =	seq.s32 @!p0 s5, $0x0  }
0x1f: {  	s9 =	smul.u32 $0xF7A, s1;
	s8 =	simm.s32 @!p0 $0x1BF5;
	p2 =	por !p2, p0  }
0x20: {  	[sflag:s8] =	ssyncset.s32 @!p0 $0xFFFFF086;
	s6 =	sadd.s32 @!p0 s3, s7;
	s7 =	simm.s32 @!p0 $0x108  }
0x21: {  	s3 =	sadd.s32 s3, s9;
	s6 =	sadd.s32 @!p0 $0x88, s6;
	s7 =	simm.s32 @p2 $0x1082  }
0x22: {  	[simem:s7], [sflag:s8] =	dma.local @!p0 [hbm:s6], $0xF7A  }
0x23: {  	s9 =	sor.u32 $0xD0000000, s2;
	s6 =	simm.s32 $0x108;
	_ =	swait.ge @!p0 [sflag:s8], $0x0  }
0x24: {  	s3 =	sadd.s32 $0x88, s3;
	s6 =	simm.s32 @!p1 $0x1082;
	[sflag:s4] =	ssyncset.s32 $0xFFFFF086  }
0x25: {  	[simem:s6], [sflag:s4] =	dma.local [hbm:s3], $0xF7A  }
0x26: {  	[smem:$0x3F9B] =	sst s1;
	(tag) =	ssettag s2;
	_ =	strace s9  }
0x27: {  	s1 =	sld [smem:$0x3FAB]  }
0x28: {  	s2 =	sld [smem:$0x3FAC]  }
0x29: {  	s4 =	sld [smem:$0x3FAE]  }
0x2a: {  	p0 =	seq.s32 s5, $0x0;
	s5 =	sld [smem:$0x3FAF]  }
0x2b: {  	s6 =	sld [smem:$0x3FB0]  }
0x2c: {  	s7 =	sld [smem:$0x3FB1]  }
0x2d: {  	s3 =	simm.s32 $0x108;
	s8 =	sld [smem:$0x3FB2]  }
0x2e: {  	s3 =	simm.s32 @!p0 $0x1082;
	s9 =	sld [smem:$0x3FB3]  }
0x2f: {  	lr =	sadd.s32 s0, s3;
	s0 =	sld [smem:$0x3FAA]  }
0x30: {  	s3 =	sld [smem:$0x3FAD]  }
0x31: {  	[smem:$0x3FB6] =	sst s10  }
0x32: {  	s10 =	sld [smem:$0x3FB4];
	_ =	sdelay $0x3  }
0x33: {  	p0 =	seq.s32 s10, $0x1;
	s10 =	sld [smem:$0x3FB6];
	_ =	sdelay $0x3  }
0x34: {  	[smem:$0x3FB6] =	sst s10  }
0x35: {  	s10 =	sld [smem:$0x3FB5];
	_ =	sdelay $0x3  }
0x36: {  	p1 =	seq.s32 s10, $0x1;
	s10 =	sld [smem:$0x3FB6];
	_ =	sdelay $0x3  }
0x37: {  	[smem:$0x3FB6] =	sst s10  }
0x38: {  	s10 =	sld [smem:$0x3FB7]  }
0x39: {  	_ = 	snop;
	(pc) =	sbr.ind lr, $3  }
0x3a: {  	_ = 	snop  }
0x3b: {  	_ = 	snop  }
0x3c: {  	p2 =	seq.s32 s10, $0x1;
	s10 =	sld [smem:$0x3FB6]  }
0x3d: {  	_ =	shalt  }
0x3e: {  	_ =	shalt  }
0x3f: {  	_ =	shalt  }
0x40: {  	_ =	shalt  }
0x41: {  	_ =	shalt  }
0x42: {  	_ =	shalt  }
0x43: {  	_ =	shalt  }
0x44: {  	_ =	shalt  }
0x45: {  	_ =	shalt  }
0x46: {  	_ =	shalt  }
0x47: {  	_ =	shalt  }
0x48: {  	_ =	shalt  }
0x49: {  	_ =	shalt  }
0x4a: {  	_ =	shalt  }
0x4b: {  	_ =	shalt  }
0x4c: {  	_ =	shalt  }
0x4d: {  	_ =	shalt  }
0x4e: {  	_ =	shalt  }
0x4f: {  	_ =	shalt  }
0x50: {  	_ =	shalt  }
0x51: {  	_ =	shalt  }
0x52: {  	_ =	shalt  }
0x53: {  	_ =	shalt  }
0x54: {  	_ =	shalt  }
0x55: {  	_ =	shalt  }
0x56: {  	_ =	shalt  }
0x57: {  	_ =	shalt  }
0x58: {  	_ =	shalt  }
0x59: {  	_ =	shalt  }
0x5a: {  	_ =	shalt  }
0x5b: {  	_ =	shalt  }
0x5c: {  	_ =	shalt  }
0x5d: {  	_ =	shalt  }
0x5e: {  	_ =	shalt  }
0x5f: {  	_ =	shalt  }
0x60: {  	_ =	shalt  }
0x61: {  	_ =	shalt  }
0x62: {  	_ =	shalt  }
0x63: {  	_ =	shalt  }
0x64: {  	_ =	shalt  }
0x65: {  	_ =	shalt  }
0x66: {  	_ =	shalt  }
0x67: {  	_ =	shalt  }
0x68: {  	_ =	shalt  }
0x69: {  	_ =	shalt  }
0x6a: {  	_ =	shalt  }
0x6b: {  	_ =	shalt  }
0x6c: {  	_ =	shalt  }
0x6d: {  	_ =	shalt  }
0x6e: {  	_ =	shalt  }
0x6f: {  	_ =	shalt  }
0x70: {  	_ =	shalt  }
0x71: {  	_ =	shalt  }
0x72: {  	_ =	shalt  }
0x73: {  	_ =	shalt  }
0x74: {  	_ =	shalt  }
0x75: {  	_ =	shalt  }
0x76: {  	_ =	shalt  }
0x77: {  	_ =	shalt  }
0x78: {  	_ =	shalt  }
0x79: {  	_ =	shalt  }
0x7a: {  	_ =	shalt  }
0x7b: {  	_ =	shalt  }
0x7c: {  	_ =	shalt  }
0x7d: {  	_ =	shalt  }
0x7e: {  	_ =	shalt  }
0x7f: {  	_ =	shalt  }
0x80: {  	_ =	shalt  }
0x81: {  	_ =	shalt  }
0x82: {  	_ =	shalt  }
0x83: {  	_ =	shalt  }
0x84: {  	_ =	shalt  }
0x85: {  	_ =	shalt  }
0x86: {  	_ =	shalt  }
0x87: {  	_ =	shalt  }
.Lfunc_end0:
.L_simem_size_0:
called_computation_lowered:
.L_overlay_start_0:
0x88: {  	s2 =	sld [smem:$0x3FD9]  }
0x89: {  	s3 =	sld [smem:$0x3FFE];
	_ =	sdelay $0x1  }
0x8a: {  	s1 =	srdreg.scid  }
0x8b: {  	s0 =	sand.u32 $0x1, s1  }
0x8c: {  	s17 =	sshll.u32 s0, $0xA;
	s2 =	sadd.s32 s3, s2  }
0x8d: {  	s2 =	sadd.s32 s2, s17  }
0x8e: {  	[smem:$0x3FC2] =	sst s2  }
0x8f: {  	_ = 	snop  }
0x90: {  	s2 =	sld [smem:$0x3FC9]  }
0x91: {  	s18 =	sld [smem:$0x3FC8]  }
0x92: {  	s4 =	sld [smem:$0x3FD0];
	(tm) =	ssettm $0x1  }
0x93: {  	s5 =	sld [smem:$0x3FFB];
	_ =	sdelay $0x3  }
0x94: {  	_ =	strace s5  }
0x95: {  	s5 =	sld [smem:$0x3FFC];
	_ =	sdelay $0x3  }
0x96: {  	_ =	strace s5  }
0x97: {  	s5 =	sld [smem:$0x3FFD];
	_ =	sdelay $0x3  }
0x98: {  	_ =	strace s5  }
0x99: {  	_ =	strace $0x8FFFFFFF  }
0x9a: {  	s19 =	sld [smem:$0x3FDB];
	_ =	sdelay $0x1  }
0x9b: {  	s6 =	simm.s32 $_scs_section_size  }
0x9c: {  	s7 =	simm.s32 $_size__tile_overlayer_lowered;
	s8 =	simm.s32 $_tile_overlayer_lowered  }
0x9d: {  	s22 =	simm.s32 $0x1BFF;
	s21 =	sshll.u32 s8, $0x1;
	s5 =	sadd.s32 s6, s19  }
0x9e: {  	s9 =	simm.s32 $0x0;
	s20 =	sshll.u32 s7, $0x1;
	s7 =	sadd.s32 s21, s5  }
0x9f: {  	[timem:s9], [sflag:s22] =	dma.local [hbm:s7], s20  }
0xa0: {  	_ =	swait.ge [sflag:s22], s20  }
0xa1: {  	s6 =	ssub.s32 $0x0, s20;
	[sflag:s22] =	ssyncset.done $0x0  }
0xa2: {  	[sflag:s22] =	ssyncadd.s32 s6;
	_ =	sdelay $0x1  }
0xa3: {  	s23 =	simm.s32 $0x1B8B  }
0xa4: {  	_ =	swait.ge [sflag:s23], $0x1  }
0xa5: {  	[sflag:s23] =	ssyncset.done $0x0  }
0xa6: {  	s25 =	simm.s32 $0x1B8E;
	s24 =	sld [smem:$0x3FFE];
	[sflag:s23] =	ssyncadd.s32 $0xFFFFFFFF  }
0xa7: {  	s26 =	simm.s32 $execute0_lowered;
	[smem:$0x3FD2] =	sst s25  }
0xa8: {  	s7 =	sshll.u32 s26, $0x1;
	_ =	strace $0x80000046;
	[dreg:$0x1] =	wrdreg $0xFFFFFFFF  }
0xa9: {  	s28 =	simm.s32 $_size_execute0_lowered;
	s5 =	sadd.s32 s5, s7;
	[dreg:$0x0] =	wrdreg $0x0  }
0xaa: {  	s7 =	sshll.u32 s28, $0x1;
	[dreg:$0x2] =	wrdreg s5  }
0xab: {  	[dreg:$0x3] =	wrdreg s7  }
0xac: {  	[dreg:$0x4] =	wrdreg $0xC0  }
0xad: {  	_ =	task [dreg:s9], $0x5FFFF  }
0xae: {  	[dreg:$0x1] =	wrdreg $0xFFFFFFFF  }
0xaf: {  	[dreg:$0x0] =	wrdreg $0x60  }
0xb0: {  	[dreg:$0x2] =	wrdreg s2  }
0xb1: {  	[dreg:$0x3] =	wrdreg s18  }
0xb2: {  	[dreg:$0x4] =	wrdreg s24  }
0xb3: {  	[dreg:$0x5] =	wrdreg s4  }
0xb4: {  	[dreg:$0x6] =	wrdreg $0x9  }
0xb5: {  	_ =	task.clear_ibuf [dreg:s9], $0x7FFFF;
	_ =	strace $0x90000046  }
0xb6: {  	s29 =	simm.s32 $0x9;
	_ =	strace $0x80000048  }
0xb7: {  	_ =	swait.ge [sflag:s29], $0x1  }
0xb8: {  	[sflag:s29] =	ssyncadd.s32 $0xFFFFFFFF  }
0xb9: {  	_ =	strace $0x90000048  }
0xba: {  	_ =	sfence  }
0xbb: {  	s30 =	sld [smem:$0x0];
	_ =	sdelay $0x2  }
0xbc: {  	s31 =	sshll.u32 s1, $0xD;
	s1 =	sshrl.u32 s1, $0x2  }
0xbd: {  	s3 =	sand.u32 $0x4000, s31;
	s1 =	sadd.s32 s1, s30  }
0xbe: {  	s0 =	sor.u32 s3, s0;
	s1 =	sshll.u32 s1, $0x11  }
0xbf: {  	s0 =	sor.u32 s1, s0  }
0xc0: {  	s0 =	sadd.s32 $0x8F2B, s0  }
0xc1: {  	[sflag:s0] =	ssyncadd.remote.s32 $0x1  }
0xc2: {  	_ =	sfence.sel $0xFFFF  }
0xc3: {  	[dreg:$0x0] =	wrdreg $0xFFFFFFFF;
	(pc) =	sbr.abs _section_cstart, $3  }
0xc4: {  	[dreg:$0x1] =	wrdreg $0xFFFFFFFF  }
0xc5: {  	_ =	task.clear_ibuf [dreg:s9], $0x2FFFF;
	_ =	strace $0x9FFFFFFF  }
0xc6: {  	(tm) =	ssettm $0x7FFFFFFF  }
0xc7: {  	_ =	shalt  }
tec
execute0_lowered:
.L_overlay_start_1:
0x0: {  	(tag) =	ssettag $0x1  }
0x1: {  	s0 =	rddreg [dreg:$0x0]  }
0x2: {  	s2 =	rddreg [dreg:$0x1]  }
0x3: {  	s6 =	rddreg [dreg:$0x2]  }
0x4: {  	s9 =	rddreg [dreg:$0x3];
	s1 =	simm.s32 $0x0;
	s5 =	srdreg.scid  }
0x5: {  	s8 =	stileid.u32;
	s15 =	simm.s32 $0x80;
	s17 =	simm.s32 $0xC00  }
0x6: {  	s19 =	simm.s32 $0x8C00;
	s21 =	simm.s32 $0x4C00;
	s22 =	simm.s32 $0x680  }
0x7: {  	s23 =	simm.s32 $0xCC00;
	s24 =	simm.s32 $0x1;
	s25 =	simm.s32 $0x2  }
0x8: {  	v0 =	vlaneseq.u32;
	s26 =	simm.s32 $0x500;
	s28 =	simm.s32 $0x700;
	s29 =	simm.s32 $0x580  }
0x9: {  	s30 =	simm.s32 $0x780;
	s31 =	simm.s32 $0x12C80;
	[smem:$0x7FF] =	sst s1;
	v0 =	vmul.u32 $0x80, v0  }
0xa: {  	s3 =	sadd.s32 $0xF42A00, s6;
	s4 =	sadd.s32 $0x1313400, s6;
	s5 =	sand.u32 $0x1, s5  }
0xb: {  	s8 =	sshll.u32 s8, $0x7;
	_ =	strace $0x80000047;
	s7 =	ssub.s32 $0x2, s5;
	v1 =	vor.u32 $0x800, v0;
	v2 =	vor.u32 $0x1000, v0;
	v3 =	vor.u32 $0x1800, v0  }
0xc: {  	s10 =	sshll.u32 s5, $0x6;
	s5 =	sadd.s32 $0x600, s6;
	s11 =	sshrl.u32 s7, $0x1;
	v4 =	vor.u32 $0x2000, v0;
	v5 =	vor.u32 $0x2800, v0;
	v6 =	vor.u32 $0x3000, v0  }
0xd: {  	s6 =	sadd.s32 $0xA00, s6;
	s10 =	sor.u32 s10, s8;
	v7 =	vor.u32 $0x3800, v0;
	v8 =	vor.u32 $0x4000, v0;
	v9 =	vor.u32 $0x4800, v0;
	s11 =	ssub.s32 s7, s11  }
0xe: {  	v10 =	vor.u32 $0x5000, v0;
	v11 =	vor.u32 $0x5800, v0;
	v12 =	vor.u32 $0x6000, v0;
	s7 =	sadd.s32 s0, s10;
	s8 =	sadd.s32 s2, s10;
	s9 =	sadd.s32 s9, s10  }
0xf: {  	v13 =	vor.u32 $0x6800, v0;
	v14 =	vor.u32 $0x7000, v0;
	v15 =	vor.u32 $0x7800, v0;
	s0 =	simm.s32 $0x0;
	s10 =	smax.u32 s11, $0x1;
	s11 =	simm.s32 $0x3  }
.LBB2_1:
0x10: {  	[tilespmem:s1], [sflag:$0x3] =	stream.linear.gather [hbm4b:s7+s1], $0x200, $0x38;
	[tilespmem:$0x12E80] =	vst v63  }
0x11: {  	_ =	swait.ge [sflag:s11], $0x200  }
0x12: {  	[sflag:s11] =	ssyncset.done $0x0  }
0x13: {  	s2 =	simm.s32 $0x200;
	[sflag:s11] =	ssyncadd.s32 $0xFFFFFE00  }
0x14: {  	[tilespmem:s2], [sflag:$0x3] =	stream.linear.gather [hbm4b:s8+s1], $0x200, $0x38;
	[tilespmem:$0x12E80] =	vst v63  }
0x15: {  	_ =	swait.ge [sflag:s11], $0x200  }
0x16: {  	[sflag:s11] =	ssyncset.done $0x0  }
0x17: {  	s18 =	simm.s32 $0x10C00;
	[sflag:s11] =	ssyncadd.s32 $0xFFFFFE00  }
0x18: {  	[tilespmem:s18], [sflag:$0x3] =	stream.linear.gather [hbm4b:s5+s1], $0x2000, $0x38;
	[tilespmem:$0x12E80] =	vst v63  }
0x19: {  	_ =	swait.ge [sflag:s11], $0x2000  }
0x1a: {  	[sflag:s11] =	ssyncset.done $0x0  }
0x1b: {  	s20 =	simm.s32 $0x12C00;
	[sflag:s11] =	ssyncadd.s32 $0xFFFFE000  }
0x1c: {  	[tilespmem:s20], [sflag:$0x3] =	stream.linear.gather [hbm4b:s6+s1], $0x80, $0x38;
	[tilespmem:$0x12E80] =	vst v63  }
0x1d: {  	_ =	swait.ge [sflag:s11], $0x80  }
0x1e: {  	[sflag:s11] =	ssyncset.done $0x0  }
0x1f: {  	s13 =	simm.s32 $0x20;
	[sflag:s11] =	ssyncadd.s32 $0xFFFFFF80  }
0x20: {  	s14 =	simm.s32 $0x220;
	v16 =	vld [tilespmem:s13+$0xFFFFFFE0]  }
0x21: {  	v17 =	vld [tilespmem:s14+$0xFFFFFFE0];
	_ =	sdelay $0x3  }
0x22: {  	s16 =	simm.s32 $0x420;
	v18 =	vshra.s32 v16, $0x2  }
0x23: {  	s18 =	simm.s32 $0x620;
	v16 =	vshll.u32 v16, $0x5;
	[tilespmem:s16+$0xFFFFFFE0] =	vst v18;
	v18 =	vshra.s32 v17, $0x2  }
0x24: {  	s2 =	simm.s32 $0x820;
	v17 =	vshll.u32 v17, $0x5;
	v16 =	vand.u32 $0x60, v16;
	[tilespmem:s18+$0xFFFFFFE0] =	vst v18  }
0x25: {  	s12 =	simm.s32 $0xA20;
	[tilespmem:s2+$0xFFFFFFE0] =	vst v16;
	v16 =	vand.u32 $0x60, v17  }
0x26: {  	[tilespmem:s12+$0xFFFFFFE0] =	vst v16  }
0x27: {  	v16 =	vld [tilespmem:s13+$0xFFFFFFF0]  }
0x28: {  	v17 =	vld [tilespmem:s14+$0xFFFFFFF0];
	_ =	sdelay $0x3  }
0x29: {  	v18 =	vshra.s32 v16, $0x2  }
0x2a: {  	v16 =	vshll.u32 v16, $0x5;
	[tilespmem:s16+$0xFFFFFFF0] =	vst v18;
	v18 =	vshra.s32 v17, $0x2  }
0x2b: {  	v17 =	vshll.u32 v17, $0x5;
	v16 =	vand.u32 $0x60, v16;
	[tilespmem:s18+$0xFFFFFFF0] =	vst v18  }
0x2c: {  	[tilespmem:s2+$0xFFFFFFF0] =	vst v16;
	v16 =	vand.u32 $0x60, v17  }
0x2d: {  	[tilespmem:s12+$0xFFFFFFF0] =	vst v16  }
0x2e: {  	v16 =	vld [tilespmem:s13+$0x0]  }
0x2f: {  	v17 =	vld [tilespmem:s14+$0x0];
	_ =	sdelay $0x3  }
0x30: {  	v18 =	vshra.s32 v16, $0x2  }
0x31: {  	v16 =	vshll.u32 v16, $0x5;
	[tilespmem:s16+$0x0] =	vst v18;
	v18 =	vshra.s32 v17, $0x2  }
0x32: {  	v16 =	vand.u32 $0x60, v16;
	v17 =	vshll.u32 v17, $0x5;
	[tilespmem:s18+$0x0] =	vst v18  }
0x33: {  	[tilespmem:s2+$0x0] =	vst v16;
	v16 =	vand.u32 $0x60, v17  }
0x34: {  	[tilespmem:s12+$0x0] =	vst v16  }
0x35: {  	v16 =	vld [tilespmem:s13+$0x10]  }
0x36: {  	v17 =	vld [tilespmem:s14+$0x10];
	_ =	sdelay $0x3  }
0x37: {  	v18 =	vshra.s32 v16, $0x2  }
0x38: {  	v16 =	vshll.u32 v16, $0x5;
	[tilespmem:s16+$0x10] =	vst v18;
	v18 =	vshra.s32 v17, $0x2  }
0x39: {  	s20 =	simm.s32 $0x260;
	s13 =	simm.s32 $0x0;
	v17 =	vshll.u32 v17, $0x5;
	v16 =	vand.u32 $0x60, v16;
	[tilespmem:s18+$0x10] =	vst v18  }
0x3a: {  	s14 =	simm.s32 $0x60;
	s16 =	simm.s32 $0x660;
	s18 =	simm.s32 $0x460;
	[tilespmem:s2+$0x10] =	vst v16;
	v16 =	vand.u32 $0x60, v17  }
.LBB2_2:
0x3b: {  	s13 =	sadd.s32 $0x4, s13;
	[tilespmem:s12+$0x10] =	vst v16;
	s12 =	sadd.s32 $0x40, s12;
	s2 =	sadd.s32 $0x40, s2  }
0x3c: {  	v16 =	vld [tilespmem:s14+$0xFFFFFFE0];
	p0 =	slt.u32 s13, $0x1C  }
0x3d: {  	v17 =	vld [tilespmem:s20+$0xFFFFFFE0];
	_ =	sdelay $0x3  }
0x3e: {  	v18 =	vshra.s32 v16, $0x2;
	v16 =	vshll.u32 v16, $0x5  }
0x3f: {  	[tilespmem:s18+$0xFFFFFFE0] =	vst v18;
	v18 =	vshra.s32 v17, $0x2;
	v17 =	vshll.u32 v17, $0x5  }
0x40: {  	v16 =	vand.u32 $0x60, v16;
	[tilespmem:s16+$0xFFFFFFE0] =	vst v18  }
0x41: {  	[tilespmem:s2+$0xFFFFFFE0] =	vst v16;
	v16 =	vand.u32 $0x60, v17  }
0x42: {  	[tilespmem:s12+$0xFFFFFFE0] =	vst v16  }
0x43: {  	v16 =	vld [tilespmem:s14+$0xFFFFFFF0]  }
0x44: {  	v17 =	vld [tilespmem:s20+$0xFFFFFFF0];
	_ =	sdelay $0x3  }
0x45: {  	v18 =	vshra.s32 v16, $0x2;
	v16 =	vshll.u32 v16, $0x5  }
0x46: {  	[tilespmem:s18+$0xFFFFFFF0] =	vst v18;
	v18 =	vshra.s32 v17, $0x2;
	v17 =	vshll.u32 v17, $0x5  }
0x47: {  	v16 =	vand.u32 $0x60, v16;
	[tilespmem:s16+$0xFFFFFFF0] =	vst v18  }
0x48: {  	[tilespmem:s2+$0xFFFFFFF0] =	vst v16;
	v16 =	vand.u32 $0x60, v17  }
0x49: {  	[tilespmem:s12+$0xFFFFFFF0] =	vst v16  }
0x4a: {  	v16 =	vld [tilespmem:s14+$0x0]  }
0x4b: {  	v17 =	vld [tilespmem:s20+$0x0];
	_ =	sdelay $0x3  }
0x4c: {  	v18 =	vshra.s32 v16, $0x2;
	v16 =	vshll.u32 v16, $0x5  }
0x4d: {  	[tilespmem:s18+$0x0] =	vst v18;
	v18 =	vshra.s32 v17, $0x2  }
0x4e: {  	v16 =	vand.u32 $0x60, v16;
	v17 =	vshll.u32 v17, $0x5;
	[tilespmem:s16+$0x0] =	vst v18  }
0x4f: {  	[tilespmem:s2+$0x0] =	vst v16;
	v16 =	vand.u32 $0x60, v17  }
0x50: {  	[tilespmem:s12+$0x0] =	vst v16  }
0x51: {  	v16 =	vld [tilespmem:s14+$0x10]  }
0x52: {  	v17 =	vld [tilespmem:s20+$0x10];
	_ =	sdelay $0x2  }
.Ltmp0:
0x53: {  	(pc) =	sbr.rel @p0 .LBB2_2-.Ltmp0, $4  }
0x54: {  	v18 =	vshra.s32 v16, $0x2;
	v16 =	vshll.u32 v16, $0x5  }
0x55: {  	[tilespmem:s18+$0x10] =	vst v18;
	v18 =	vshra.s32 v17, $0x2;
	v17 =	vshll.u32 v17, $0x5  }
0x56: {  	s14 =	sadd.s32 $0x40, s14;
	v16 =	vand.u32 $0x60, v16;
	[tilespmem:s16+$0x10] =	vst v18  }
0x57: {  	s20 =	sadd.s32 $0x40, s20;
	s18 =	sadd.s32 $0x40, s18;
	s16 =	sadd.s32 $0x40, s16;
	[tilespmem:s2+$0x10] =	vst v16;
	v16 =	vand.u32 $0x60, v17  }
0x58: {  	[tilespmem:s12+$0x10] =	vst v16;
	s2 =	simm.s32 $0x400  }
0x59: {  	[tilespmem:s17], [sflag:$0x1] =	stream.indirect.gather [hbm4b:s3+s15], $0x80, s2, s15, $0xb8;
	[tilespmem:$0x12E80] =	vst v63  }
0x5a: {  	s18 =	simm.s32 $0x600  }
0x5b: {  	[tilespmem:s19], [sflag:$0x2] =	stream.indirect.gather [hbm4b:s4+s15], $0x80, s18, s15, $0xb8;
	[tilespmem:$0x12E80] =	vst v63  }
0x5c: {  	s20 =	simm.s32 $0x480  }
0x5d: {  	[tilespmem:s21], [sflag:$0x1] =	stream.indirect.gather [hbm4b:s3+s15], $0x80, s20, s15, $0xb8;
	[tilespmem:$0x12E80] =	vst v63  }
0x5e: {  	_ = 	snop  }
0x5f: {  	[tilespmem:s23], [sflag:$0x2] =	stream.indirect.gather [hbm4b:s4+s15], $0x80, s22, s15, $0xb8;
	[tilespmem:$0x12E80] =	vst v63  }
0x60: {  	v16 =	vld [tilespmem:$0x12C00];
	_ =	swait.ge [sflag:s24], $0x4000  }
0x61: {  	[sflag:s24] =	ssyncset.done $0x0  }
0x62: {  	[sflag:s24] =	ssyncadd.s32 $0xFFFFC000  }
0x63: {  	_ =	swait.ge [sflag:s25], $0x4000  }
0x64: {  	[sflag:s25] =	ssyncset.done $0x0  }
0x65: {  	[sflag:s25] =	ssyncadd.s32 $0xFFFFC000  }
0x66: {  	v17 =	vld [tilespmem:$0x800]  }
0x67: {  	v18 =	vld [tilespmem:$0x810]  }
0x68: {  	v19 =	vld [tilespmem:$0x820]  }
0x69: {  	v20 =	vld [tilespmem:$0x830]  }
0x6a: {  	v21 =	vld [tilespmem:$0x870]  }
0x6b: {  	v22 =	vld [tilespmem:$0x840]  }
0x6c: {  	v23 =	vld [tilespmem:$0xA70]  }
0x6d: {  	v24 =	vld [tilespmem:$0x850]  }
0x6e: {  	v25 =	vld [tilespmem:$0x860]  }
0x6f: {  	v26 =	vld [tilespmem:$0xA00]  }
0x70: {  	s13 =	simm.s32 $0x0;
	v27 =	vld [tilespmem:$0xA10]  }
0x71: {  	v29 =	vld [tilespmem:$0xA30];
	v28 =	vadd.s32 s13, v21  }
0x72: {  	v31 =	vld [tilespmem:$0xA60];
	v30 =	vadd.s32 s13, v23;
	v32 =	vadd.s32 v7, v28  }
0x73: {  	v28 =	vld [tilespmem:$0xA20];
	v33 =	vadd.s32 v7, v30  }
0x74: {  	s2 =	simm.s32 $0x11C00;
	v34 =	vadd.s32 s13, v17;
	v35 =	vadd.s32 s13, v22;
	v30 =	vld [tilespmem:$0xA40]  }
0x75: {  	v36 =	vadd.s32 v0, v34;
	v38 =	vadd.s32 v4, v35;
	v35 =	vld [tilespmem:s2+$0xFFFFF000]  }
0x76: {  	v55 =	vadd.s32 s13, v25;
	v34 =	vld [tilespmem:$0xA50]  }
0x77: {  	v56 =	vadd.s32 s13, v19;
	v39 =	vadd.s32 v6, v55;
	v37 =	vld.idx.msk [tilespmem:v32+s17+$0x0], $0xffff  }
0x78: {  	v40 =	vadd.s32 s13, v20;
	v41 =	vadd.s32 v2, v56;
	v33 =	vld.idx.msk [tilespmem:v33+s19+$0x0], $0xffff  }
0x79: {  	v42 =	vadd.s32 s13, v18;
	v43 =	vadd.s32 v3, v40;
	v32 =	vld [tilespmem:s2+$0x0]  }
0x7a: {  	v44 =	vadd.s32 s13, v24;
	v42 =	vadd.s32 v1, v42;
	v40 =	vld.idx.msk [tilespmem:v36+s17+$0x0], $0xffff  }
0x7b: {  	v58 =	vadd.s32 s13, v31;
	v57 =	vadd.s32 v5, v44;
	v38 =	vld.idx.msk [tilespmem:v38+s17+$0x0], $0xffff  }
0x7c: {  	v44 =	vadd.s32 v6, v58;
	v39 =	vld.idx.msk [tilespmem:v39+s17+$0x0], $0xffff  }
0x7d: {  	v45 =	vadd.s32 s13, v28;
	v48 =	vld.idx.msk [tilespmem:v41+s17+$0x0], $0xffff;
	v37 =	vmul.f32 v37, v35  }
0x7e: {  	v61 =	vadd.s32 s13, v26;
	v46 =	vld.idx.msk [tilespmem:v43+s17+$0x0], $0xffff;
	v59 =	vadd.s32 v2, v45  }
0x7f: {  	v62 =	vadd.s32 s13, v27;
	v54 =	vadd.s32 v0, v61;
	v50 =	vld.idx.msk [tilespmem:v42+s17+$0x0], $0xffff;
	v37 =	vadd.f32 v37, v16  }
0x80: {  	v49 =	vmovc v16;
	v52 =	vadd.s32 v1, v62;
	v56 =	vadd.s32 s13, v29;
	v60 =	vadd.s32 s13, v30;
	v47 =	vld.idx.msk [tilespmem:v57+s17+$0x0], $0xffff  }
0x81: {  	v63 =	vadd.s32 s13, v34;
	v36 =	vld.idx.msk [tilespmem:v44+s19+$0x0], $0xffff;
	v42 =	vmovc v16;
	v51 =	vadd.s32 v4, v60;
	v33 =	vmul.f32 v33, v32  }
0x82: {  	v43 =	vmovc v16;
	v55 =	vadd.s32 v5, v63;
	v44 =	vmul.f32 v39, v35;
	v53 =	vmul.f32 v38, v35  }
0x83: {  	s12 =	simm.s32 $0x1;
	v41 =	vmovc v16;
	v38 =	vmovc v16;
	v39 =	vmov v16;
	v45 =	vld.idx.msk [tilespmem:v59+s19+$0x0], $0xffff;
	v33 =	vadd.f32 v33, v37;
	v37 =	vmov v16  }
.LBB2_4:
0x84: {  	p0 =	sne.s32 s12, $0x1F  }
0x85: {  	v57 =	vadd.s32 s12, v23;
	v48 =	vmul.f32 v48, v35;
	v56 =	vadd.s32 v3, v56;
	s2 =	sadd.s32 $0x80, s2;
	s13 =	smov.u32 s12;
	s12 =	sadd.s32 $0x1, s12  }
0x86: {  	v58 =	vmul.f32 v40, v35;
	v40 =	vmul.f32 v46, v35;
	v57 =	vadd.s32 v7, v57  }
0x87: {  	v50 =	vmul.f32 v50, v35;
	v46 =	vadd.s32 s13, v21;
	v42 =	vadd.f32 v53, v42;
	v51 =	vld.idx.msk [tilespmem:v51+s19+$0x0], $0xffff  }
0x88: {  	v53 =	vadd.s32 s13, v25;
	v47 =	vmul.f32 v47, v35;
	v46 =	vadd.s32 v7, v46;
	v54 =	vld.idx.msk [tilespmem:v54+s19+$0x0], $0xffff  }
0x89: {  	v59 =	vadd.s32 s13, v19;
	v35 =	vadd.s32 s13, v24;
	v49 =	vadd.f32 v40, v49;
	v40 =	vld.idx.msk [tilespmem:v55+s19+$0x0], $0xffff  }
0x8a: {  	v43 =	vadd.f32 v44, v43;
	v60 =	vadd.s32 s13, v22;
	v55 =	vadd.s32 s13, v20;
	v52 =	vld.idx.msk [tilespmem:v52+s19+$0x0], $0xffff  }
0x8b: {  	v44 =	vadd.s32 s13, v17;
	v61 =	vadd.s32 s13, v18;
	v37 =	vadd.f32 v48, v37;
	v48 =	vld.idx.msk [tilespmem:v56+s19+$0x0], $0xffff  }
0x8c: {  	v44 =	vadd.s32 v0, v44;
	v45 =	vmul.f32 v45, v32;
	v56 =	vadd.s32 v4, v60  }
0x8d: {  	v60 =	vadd.s32 v1, v61;
	v61 =	vadd.s32 v5, v35;
	v51 =	vmul.f32 v51, v32;
	v46 =	vld.idx.msk [tilespmem:v46+s17+$0x0], $0xffff  }
0x8e: {  	v53 =	vadd.s32 v6, v53;
	v55 =	vadd.s32 v3, v55;
	v37 =	vadd.f32 v45, v37;
	v35 =	vld [tilespmem:s2+$0xFFFFF000]  }
0x8f: {  	v38 =	vadd.f32 v47, v38;
	v45 =	vadd.s32 v2, v59;
	v54 =	vmul.f32 v54, v32;
	v57 =	vld.idx.msk [tilespmem:v57+s19+$0x0], $0xffff  }
0x90: {  	v41 =	vadd.f32 v50, v41;
	v50 =	vmul.f32 v40, v32;
	v47 =	vmul.f32 v52, v32;
	v59 =	vld [tilespmem:s2+$0x0]  }
0x91: {  	v39 =	vadd.f32 v58, v39;
	v52 =	vmul.f32 v48, v32;
	v40 =	vld.idx.msk [tilespmem:v44+s17+$0x0], $0xffff;
	v44 =	vadd.s32 s13, v28  }
0x92: {  	v42 =	vadd.f32 v51, v42;
	v48 =	vadd.s32 s13, v31;
	v32 =	vmul.f32 v36, v32;
	v58 =	vld.idx.msk [tilespmem:v56+s17+$0x0], $0xffff  }
0x93: {  	v39 =	vadd.f32 v54, v39;
	v36 =	vadd.s32 v6, v48;
	v53 =	vld.idx.msk [tilespmem:v53+s17+$0x0], $0xffff;
	v51 =	vmul.f32 v46, v35  }
0x94: {  	v38 =	vadd.f32 v50, v38;
	v44 =	vadd.s32 v2, v44;
	v48 =	vld.idx.msk [tilespmem:v45+s17+$0x0], $0xffff;
	v45 =	vadd.s32 s13, v30  }
0x95: {  	v41 =	vadd.f32 v47, v41;
	v46 =	vld.idx.msk [tilespmem:v55+s17+$0x0], $0xffff;
	v33 =	vadd.f32 v51, v33;
	v54 =	vmul.f32 v57, v59  }
.Ltmp1:
0x96: {  	v49 =	vadd.f32 v52, v49;
	v43 =	vadd.f32 v32, v43;
	v51 =	vadd.s32 v4, v45;
	v50 =	vld.idx.msk [tilespmem:v60+s17+$0x0], $0xffff;
	(pc) =	sbr.rel @p0 .LBB2_4-.Ltmp1, $4  }
0x97: {  	v32 =	vmov v59;
	v47 =	vld.idx.msk [tilespmem:v61+s17+$0x0], $0xffff;
	v33 =	vadd.f32 v54, v33  }
0x98: {  	v52 =	vadd.s32 s13, v27;
	v45 =	vadd.s32 s13, v26;
	v55 =	vadd.s32 s13, v34;
	v36 =	vld.idx.msk [tilespmem:v36+s19+$0x0], $0xffff  }
0x99: {  	v52 =	vadd.s32 v1, v52;
	v54 =	vadd.s32 v0, v45;
	v45 =	vld.idx.msk [tilespmem:v44+s19+$0x0], $0xffff;
	v44 =	vmul.f32 v53, v35  }
0x9a: {  	v56 =	vadd.s32 s13, v29;
	v55 =	vadd.s32 v5, v55;
	v53 =	vmul.f32 v58, v35  }
0x9b: {  	_ =	sdelay $0x3  }
0x9c: {  	v17 =	vadd.s32 v3, v56;
	v18 =	vld.idx.msk [tilespmem:v54+s19+$0x0], $0xffff;
	_ =	sdelay $0x1  }
0x9d: {  	v19 =	vld.idx.msk [tilespmem:v52+s19+$0x0], $0xffff  }
0x9e: {  	v20 =	vmul.f32 v40, v35;
	v23 =	vld.idx.msk [tilespmem:v51+s19+$0x0], $0xffff  }
0x9f: {  	v22 =	vmul.f32 v50, v35;
	v25 =	vld.idx.msk [tilespmem:v55+s19+$0x0], $0xffff  }
0xa0: {  	v21 =	vmul.f32 v48, v35;
	v20 =	vadd.f32 v20, v39;
	v17 =	vld.idx.msk [tilespmem:v17+s19+$0x0], $0xffff;
	v18 =	vmul.f32 v18, v32  }
0xa1: {  	v24 =	vmul.f32 v46, v35;
	v26 =	vmul.f32 v47, v35;
	v22 =	vadd.f32 v22, v41  }
0xa2: {  	v21 =	vadd.f32 v21, v37;
	v19 =	vmul.f32 v19, v32;
	v18 =	vadd.f32 v18, v20  }
0xa3: {  	v27 =	vmul.f32 v45, v32;
	v23 =	vmul.f32 v23, v32;
	v20 =	vadd.f32 v24, v49  }
0xa4: {  	v19 =	vadd.f32 v19, v22;
	v24 =	vmul.f32 v25, v32;
	[tilespmem:$0x12C80] =	vst v18;
	v18 =	vadd.f32 v26, v38  }
0xa5: {  	v21 =	vadd.f32 v27, v21;
	[tilespmem:$0x12CF0] =	vst v33;
	v22 =	vadd.f32 v53, v42;
	v17 =	vmul.f32 v17, v32  }
0xa6: {  	[tilespmem:$0x12C90] =	vst v19;
	v19 =	vadd.f32 v44, v43;
	v18 =	vadd.f32 v24, v18  }
0xa7: {  	[tilespmem:$0x12CA0] =	vst v21;
	v17 =	vadd.f32 v17, v20;
	v20 =	vadd.f32 v23, v22;
	v22 =	vmul.f32 v36, v32  }
0xa8: {  	[tilespmem:$0x12CD0] =	vst v18  }
0xa9: {  	[tilespmem:$0x12CB0] =	vst v17;
	v17 =	vadd.f32 v22, v19  }
0xaa: {  	[tilespmem:$0x12CC0] =	vst v20  }
0xab: {  	[tilespmem:$0x12CE0] =	vst v17  }
0xac: {  	[tilespmem:s17], [sflag:$0x1] =	stream.indirect.gather [hbm4b:s3+s15], $0x80, s26, s15, $0xb8;
	[tilespmem:$0x12E80] =	vst v63  }
0xad: {  	_ = 	snop  }
0xae: {  	[tilespmem:s19], [sflag:$0x2] =	stream.indirect.gather [hbm4b:s4+s15], $0x80, s28, s15, $0xb8;
	[tilespmem:$0x12E80] =	vst v63  }
0xaf: {  	_ =	swait.ge [sflag:s24], $0x4000  }
0xb0: {  	[sflag:s24] =	ssyncset.done $0x0  }
0xb1: {  	[sflag:s24] =	ssyncadd.s32 $0xFFFFC000  }
0xb2: {  	_ =	swait.ge [sflag:s25], $0x4000  }
0xb3: {  	[sflag:s25] =	ssyncset.done $0x0  }
0xb4: {  	[sflag:s25] =	ssyncadd.s32 $0xFFFFC000  }
0xb5: {  	v17 =	vld [tilespmem:$0x880]  }
0xb6: {  	v18 =	vld [tilespmem:$0x890]  }
0xb7: {  	v19 =	vld [tilespmem:$0x8A0]  }
0xb8: {  	v20 =	vld [tilespmem:$0x8B0]  }
0xb9: {  	v21 =	vld [tilespmem:$0x8F0]  }
0xba: {  	v22 =	vld [tilespmem:$0x8C0]  }
0xbb: {  	v23 =	vld [tilespmem:$0xAF0]  }
0xbc: {  	v24 =	vld [tilespmem:$0x8D0]  }
0xbd: {  	v25 =	vld [tilespmem:$0x8E0]  }
0xbe: {  	v26 =	vld [tilespmem:$0xA80]  }
0xbf: {  	v27 =	vld [tilespmem:$0xA90]  }
0xc0: {  	s13 =	simm.s32 $0x0;
	v29 =	vld [tilespmem:$0xAB0]  }
0xc1: {  	s2 =	simm.s32 $0x11C00;
	v31 =	vld [tilespmem:$0xAE0];
	v28 =	vadd.s32 s13, v21  }
0xc2: {  	v35 =	vld [tilespmem:s2+$0xFFFFF000];
	v30 =	vadd.s32 s13, v23;
	v59 =	vadd.s32 v15, v28  }
0xc3: {  	v32 =	vld [tilespmem:s2+$0x0];
	v34 =	vadd.s32 s13, v17;
	v60 =	vadd.s32 v15, v30  }
0xc4: {  	v61 =	vadd.s32 s13, v22;
	v28 =	vld [tilespmem:$0xAA0];
	v62 =	vadd.s32 v8, v34  }
0xc5: {  	v47 =	vadd.s32 s13, v25;
	v30 =	vld [tilespmem:$0xAC0];
	v48 =	vadd.s32 v12, v61  }
0xc6: {  	v49 =	vadd.s32 s13, v19;
	v50 =	vadd.s32 v14, v47;
	v34 =	vld [tilespmem:$0xAD0]  }
0xc7: {  	v51 =	vadd.s32 s13, v20;
	v52 =	vadd.s32 v10, v49;
	v63 =	vld.idx.msk [tilespmem:v59+s17+$0x0], $0xffff  }
0xc8: {  	v53 =	vadd.s32 s13, v18;
	v54 =	vadd.s32 v11, v51;
	v33 =	vld.idx.msk [tilespmem:v60+s19+$0x0], $0xffff  }
0xc9: {  	v55 =	vadd.s32 s13, v24;
	v42 =	vadd.s32 v9, v53;
	v40 =	vld.idx.msk [tilespmem:v62+s17+$0x0], $0xffff  }
0xca: {  	v57 =	vadd.s32 s13, v31;
	v56 =	vadd.s32 v13, v55;
	v38 =	vld.idx.msk [tilespmem:v48+s17+$0x0], $0xffff  }
0xcb: {  	v44 =	vadd.s32 v14, v57;
	v39 =	vld.idx.msk [tilespmem:v50+s17+$0x0], $0xffff  }
0xcc: {  	v58 =	vadd.s32 s13, v28;
	v48 =	vld.idx.msk [tilespmem:v52+s17+$0x0], $0xffff;
	v37 =	vmul.f32 v63, v35  }
0xcd: {  	v46 =	vld.idx.msk [tilespmem:v54+s17+$0x0], $0xffff;
	v59 =	vadd.s32 v10, v58  }
0xce: {  	v41 =	vmovc v16;
	v61 =	vadd.s32 s13, v26;
	v60 =	vadd.s32 s13, v30;
	v50 =	vld.idx.msk [tilespmem:v42+s17+$0x0], $0xffff;
	v37 =	vadd.f32 v37, v16  }
0xcf: {  	v43 =	vmovc v16;
	v49 =	vmovc v16;
	v47 =	vld.idx.msk [tilespmem:v56+s17+$0x0], $0xffff;
	v62 =	vadd.s32 s13, v27;
	v54 =	vadd.s32 v8, v61;
	v56 =	vadd.s32 s13, v29  }
0xd0: {  	v36 =	vld.idx.msk [tilespmem:v44+s19+$0x0], $0xffff;
	v51 =	vadd.s32 v12, v60;
	v52 =	vadd.s32 v9, v62;
	v33 =	vmul.f32 v33, v32  }
0xd1: {  	v42 =	vmovc v16;
	v63 =	vadd.s32 s13, v34;
	v44 =	vmul.f32 v39, v35;
	v53 =	vmul.f32 v38, v35;
	v38 =	vmovc v16  }
0xd2: {  	s12 =	simm.s32 $0x1;
	v39 =	vmovc v16;
	v45 =	vld.idx.msk [tilespmem:v59+s19+$0x0], $0xffff;
	v55 =	vadd.s32 v13, v63;
	v33 =	vadd.f32 v33, v37;
	v37 =	vmov v16  }
.LBB2_6:
0xd3: {  	p0 =	sne.s32 s12, $0x1F  }
0xd4: {  	v57 =	vadd.s32 s12, v23;
	v48 =	vmul.f32 v48, v35;
	v56 =	vadd.s32 v11, v56;
	s2 =	sadd.s32 $0x80, s2;
	s13 =	smov.u32 s12;
	s12 =	sadd.s32 $0x1, s12  }
0xd5: {  	v58 =	vmul.f32 v40, v35;
	v40 =	vmul.f32 v46, v35;
	v57 =	vadd.s32 v15, v57  }
0xd6: {  	v50 =	vmul.f32 v50, v35;
	v46 =	vadd.s32 s13, v21;
	v42 =	vadd.f32 v53, v42;
	v51 =	vld.idx.msk [tilespmem:v51+s19+$0x0], $0xffff  }
0xd7: {  	v53 =	vadd.s32 s13, v25;
	v47 =	vmul.f32 v47, v35;
	v46 =	vadd.s32 v15, v46;
	v54 =	vld.idx.msk [tilespmem:v54+s19+$0x0], $0xffff  }
0xd8: {  	v59 =	vadd.s32 s13, v19;
	v35 =	vadd.s32 s13, v24;
	v49 =	vadd.f32 v40, v49;
	v40 =	vld.idx.msk [tilespmem:v55+s19+$0x0], $0xffff  }
0xd9: {  	v43 =	vadd.f32 v44, v43;
	v60 =	vadd.s32 s13, v22;
	v55 =	vadd.s32 s13, v20;
	v52 =	vld.idx.msk [tilespmem:v52+s19+$0x0], $0xffff  }
0xda: {  	v44 =	vadd.s32 s13, v17;
	v61 =	vadd.s32 s13, v18;
	v37 =	vadd.f32 v48, v37;
	v48 =	vld.idx.msk [tilespmem:v56+s19+$0x0], $0xffff  }
0xdb: {  	v44 =	vadd.s32 v8, v44;
	v45 =	vmul.f32 v45, v32;
	v56 =	vadd.s32 v12, v60  }
0xdc: {  	v60 =	vadd.s32 v9, v61;
	v61 =	vadd.s32 v13, v35;
	v51 =	vmul.f32 v51, v32;
	v46 =	vld.idx.msk [tilespmem:v46+s17+$0x0], $0xffff  }
0xdd: {  	v53 =	vadd.s32 v14, v53;
	v55 =	vadd.s32 v11, v55;
	v37 =	vadd.f32 v45, v37;
	v35 =	vld [tilespmem:s2+$0xFFFFF000]  }
0xde: {  	v38 =	vadd.f32 v47, v38;
	v45 =	vadd.s32 v10, v59;
	v54 =	vmul.f32 v54, v32;
	v57 =	vld.idx.msk [tilespmem:v57+s19+$0x0], $0xffff  }
0xdf: {  	v41 =	vadd.f32 v50, v41;
	v50 =	vmul.f32 v40, v32;
	v47 =	vmul.f32 v52, v32;
	v59 =	vld [tilespmem:s2+$0x0]  }
0xe0: {  	v39 =	vadd.f32 v58, v39;
	v52 =	vmul.f32 v48, v32;
	v40 =	vld.idx.msk [tilespmem:v44+s17+$0x0], $0xffff;
	v44 =	vadd.s32 s13, v28  }
0xe1: {  	v42 =	vadd.f32 v51, v42;
	v48 =	vadd.s32 s13, v31;
	v32 =	vmul.f32 v36, v32;
	v58 =	vld.idx.msk [tilespmem:v56+s17+$0x0], $0xffff  }
0xe2: {  	v39 =	vadd.f32 v54, v39;
	v36 =	vadd.s32 v14, v48;
	v53 =	vld.idx.msk [tilespmem:v53+s17+$0x0], $0xffff;
	v51 =	vmul.f32 v46, v35  }
0xe3: {  	v38 =	vadd.f32 v50, v38;
	v44 =	vadd.s32 v10, v44;
	v48 =	vld.idx.msk [tilespmem:v45+s17+$0x0], $0xffff;
	v45 =	vadd.s32 s13, v30  }
0xe4: {  	v41 =	vadd.f32 v47, v41;
	v46 =	vld.idx.msk [tilespmem:v55+s17+$0x0], $0xffff;
	v33 =	vadd.f32 v51, v33;
	v54 =	vmul.f32 v57, v59  }
.Ltmp2:
0xe5: {  	v49 =	vadd.f32 v52, v49;
	v43 =	vadd.f32 v32, v43;
	v51 =	vadd.s32 v12, v45;
	v50 =	vld.idx.msk [tilespmem:v60+s17+$0x0], $0xffff;
	(pc) =	sbr.rel @p0 .LBB2_6-.Ltmp2, $4  }
0xe6: {  	v32 =	vmov v59;
	v47 =	vld.idx.msk [tilespmem:v61+s17+$0x0], $0xffff;
	v33 =	vadd.f32 v54, v33  }
0xe7: {  	v52 =	vadd.s32 s13, v27;
	v45 =	vadd.s32 s13, v26;
	v55 =	vadd.s32 s13, v34;
	v36 =	vld.idx.msk [tilespmem:v36+s19+$0x0], $0xffff  }
0xe8: {  	v52 =	vadd.s32 v9, v52;
	v54 =	vadd.s32 v8, v45;
	v45 =	vld.idx.msk [tilespmem:v44+s19+$0x0], $0xffff;
	v44 =	vmul.f32 v53, v35  }
0xe9: {  	v56 =	vadd.s32 s13, v29;
	v55 =	vadd.s32 v13, v55;
	v53 =	vmul.f32 v58, v35  }
0xea: {  	_ =	sdelay $0x3  }
0xeb: {  	v17 =	vadd.s32 v11, v56;
	v18 =	vld.idx.msk [tilespmem:v54+s19+$0x0], $0xffff;
	_ =	sdelay $0x1  }
0xec: {  	v19 =	vld.idx.msk [tilespmem:v52+s19+$0x0], $0xffff  }
0xed: {  	v20 =	vmul.f32 v40, v35;
	v23 =	vld.idx.msk [tilespmem:v51+s19+$0x0], $0xffff  }
0xee: {  	v22 =	vmul.f32 v50, v35;
	v25 =	vld.idx.msk [tilespmem:v55+s19+$0x0], $0xffff  }
0xef: {  	v21 =	vmul.f32 v48, v35;
	v20 =	vadd.f32 v20, v39;
	v17 =	vld.idx.msk [tilespmem:v17+s19+$0x0], $0xffff;
	v18 =	vmul.f32 v18, v32  }
0xf0: {  	v24 =	vmul.f32 v46, v35;
	v26 =	vmul.f32 v47, v35;
	v22 =	vadd.f32 v22, v41  }
0xf1: {  	v21 =	vadd.f32 v21, v37;
	v19 =	vmul.f32 v19, v32;
	v18 =	vadd.f32 v18, v20  }
0xf2: {  	v27 =	vmul.f32 v45, v32;
	v23 =	vmul.f32 v23, v32;
	v20 =	vadd.f32 v24, v49  }
0xf3: {  	v19 =	vadd.f32 v19, v22;
	v24 =	vmul.f32 v25, v32;
	[tilespmem:$0x12D00] =	vst v18;
	v18 =	vadd.f32 v26, v38  }
0xf4: {  	v21 =	vadd.f32 v27, v21;
	[tilespmem:$0x12D70] =	vst v33;
	v22 =	vadd.f32 v53, v42;
	v17 =	vmul.f32 v17, v32  }
0xf5: {  	[tilespmem:$0x12D10] =	vst v19;
	v19 =	vadd.f32 v44, v43;
	v18 =	vadd.f32 v24, v18  }
0xf6: {  	[tilespmem:$0x12D20] =	vst v21;
	v17 =	vadd.f32 v17, v20;
	v20 =	vadd.f32 v23, v22;
	v22 =	vmul.f32 v36, v32  }
0xf7: {  	[tilespmem:$0x12D50] =	vst v18  }
0xf8: {  	[tilespmem:$0x12D30] =	vst v17;
	v17 =	vadd.f32 v22, v19  }
0xf9: {  	[tilespmem:$0x12D40] =	vst v20  }
0xfa: {  	[tilespmem:$0x12D60] =	vst v17  }
0xfb: {  	[tilespmem:s21], [sflag:$0x1] =	stream.indirect.gather [hbm4b:s3+s15], $0x80, s29, s15, $0xb8;
	[tilespmem:$0x12E80] =	vst v63  }
0xfc: {  	_ = 	snop  }
0xfd: {  	[tilespmem:s23], [sflag:$0x2] =	stream.indirect.gather [hbm4b:s4+s15], $0x80, s30, s15, $0xb8;
	[tilespmem:$0x12E80] =	vst v63  }
0xfe: {  	_ =	swait.ge [sflag:s24], $0x4000  }
0xff: {  	[sflag:s24] =	ssyncset.done $0x0  }
0x100: {  	[sflag:s24] =	ssyncadd.s32 $0xFFFFC000  }
0x101: {  	_ =	swait.ge [sflag:s25], $0x4000  }
0x102: {  	[sflag:s25] =	ssyncset.done $0x0  }
0x103: {  	[sflag:s25] =	ssyncadd.s32 $0xFFFFC000  }
0x104: {  	v17 =	vld [tilespmem:$0x900]  }
0x105: {  	v18 =	vld [tilespmem:$0x910]  }
0x106: {  	v19 =	vld [tilespmem:$0x920]  }
0x107: {  	v20 =	vld [tilespmem:$0x930]  }
0x108: {  	v21 =	vld [tilespmem:$0x970]  }
0x109: {  	v22 =	vld [tilespmem:$0x940]  }
0x10a: {  	v23 =	vld [tilespmem:$0xB70]  }
0x10b: {  	v24 =	vld [tilespmem:$0x950]  }
0x10c: {  	v25 =	vld [tilespmem:$0x960]  }
0x10d: {  	v26 =	vld [tilespmem:$0xB00]  }
0x10e: {  	v27 =	vld [tilespmem:$0xB10]  }
0x10f: {  	s13 =	simm.s32 $0x0;
	v29 =	vld [tilespmem:$0xB30]  }
0x110: {  	s2 =	simm.s32 $0x11C00;
	v31 =	vld [tilespmem:$0xB60];
	v28 =	vadd.s32 s13, v21  }
0x111: {  	v35 =	vld [tilespmem:s2+$0xFFFFF000];
	v30 =	vadd.s32 s13, v23;
	v59 =	vadd.s32 v7, v28  }
0x112: {  	v32 =	vld [tilespmem:s2+$0x0];
	v34 =	vadd.s32 s13, v17;
	v60 =	vadd.s32 v7, v30  }
0x113: {  	v61 =	vadd.s32 s13, v22;
	v28 =	vld [tilespmem:$0xB20];
	v62 =	vadd.s32 v0, v34  }
0x114: {  	v47 =	vadd.s32 s13, v25;
	v30 =	vld [tilespmem:$0xB40];
	v48 =	vadd.s32 v4, v61  }
0x115: {  	v49 =	vadd.s32 s13, v19;
	v50 =	vadd.s32 v6, v47;
	v34 =	vld [tilespmem:$0xB50]  }
0x116: {  	v51 =	vadd.s32 s13, v20;
	v52 =	vadd.s32 v2, v49;
	v63 =	vld.idx.msk [tilespmem:v59+s17+$0x0], $0xffff  }
0x117: {  	v53 =	vadd.s32 s13, v18;
	v54 =	vadd.s32 v3, v51;
	v33 =	vld.idx.msk [tilespmem:v60+s19+$0x0], $0xffff  }
0x118: {  	v55 =	vadd.s32 s13, v24;
	v42 =	vadd.s32 v1, v53;
	v40 =	vld.idx.msk [tilespmem:v62+s17+$0x0], $0xffff  }
0x119: {  	v57 =	vadd.s32 s13, v31;
	v56 =	vadd.s32 v5, v55;
	v38 =	vld.idx.msk [tilespmem:v48+s17+$0x0], $0xffff  }
0x11a: {  	v44 =	vadd.s32 v6, v57;
	v39 =	vld.idx.msk [tilespmem:v50+s17+$0x0], $0xffff  }
0x11b: {  	v58 =	vadd.s32 s13, v28;
	v48 =	vld.idx.msk [tilespmem:v52+s17+$0x0], $0xffff;
	v37 =	vmul.f32 v63, v35  }
0x11c: {  	v46 =	vld.idx.msk [tilespmem:v54+s17+$0x0], $0xffff;
	v59 =	vadd.s32 v2, v58  }
0x11d: {  	v41 =	vmovc v16;
	v61 =	vadd.s32 s13, v26;
	v60 =	vadd.s32 s13, v30;
	v50 =	vld.idx.msk [tilespmem:v42+s17+$0x0], $0xffff;
	v37 =	vadd.f32 v37, v16  }
0x11e: {  	v43 =	vmovc v16;
	v49 =	vmovc v16;
	v47 =	vld.idx.msk [tilespmem:v56+s17+$0x0], $0xffff;
	v62 =	vadd.s32 s13, v27;
	v54 =	vadd.s32 v0, v61;
	v56 =	vadd.s32 s13, v29  }
0x11f: {  	v36 =	vld.idx.msk [tilespmem:v44+s19+$0x0], $0xffff;
	v51 =	vadd.s32 v4, v60;
	v52 =	vadd.s32 v1, v62;
	v33 =	vmul.f32 v33, v32  }
0x120: {  	v42 =	vmovc v16;
	v63 =	vadd.s32 s13, v34;
	v44 =	vmul.f32 v39, v35;
	v53 =	vmul.f32 v38, v35;
	v38 =	vmovc v16  }
0x121: {  	s12 =	simm.s32 $0x1;
	v39 =	vmovc v16;
	v45 =	vld.idx.msk [tilespmem:v59+s19+$0x0], $0xffff;
	v55 =	vadd.s32 v5, v63;
	v33 =	vadd.f32 v33, v37;
	v37 =	vmov v16  }
.LBB2_8:
0x122: {  	p0 =	sne.s32 s12, $0x1F  }
0x123: {  	v57 =	vadd.s32 s12, v23;
	v48 =	vmul.f32 v48, v35;
	v56 =	vadd.s32 v3, v56;
	s2 =	sadd.s32 $0x80, s2;
	s13 =	smov.u32 s12;
	s12 =	sadd.s32 $0x1, s12  }
0x124: {  	v58 =	vmul.f32 v40, v35;
	v40 =	vmul.f32 v46, v35;
	v57 =	vadd.s32 v7, v57  }
0x125: {  	v50 =	vmul.f32 v50, v35;
	v46 =	vadd.s32 s13, v21;
	v42 =	vadd.f32 v53, v42;
	v51 =	vld.idx.msk [tilespmem:v51+s19+$0x0], $0xffff  }
0x126: {  	v53 =	vadd.s32 s13, v25;
	v47 =	vmul.f32 v47, v35;
	v46 =	vadd.s32 v7, v46;
	v54 =	vld.idx.msk [tilespmem:v54+s19+$0x0], $0xffff  }
0x127: {  	v59 =	vadd.s32 s13, v19;
	v35 =	vadd.s32 s13, v24;
	v49 =	vadd.f32 v40, v49;
	v40 =	vld.idx.msk [tilespmem:v55+s19+$0x0], $0xffff  }
0x128: {  	v43 =	vadd.f32 v44, v43;
	v60 =	vadd.s32 s13, v22;
	v55 =	vadd.s32 s13, v20;
	v52 =	vld.idx.msk [tilespmem:v52+s19+$0x0], $0xffff  }
0x129: {  	v44 =	vadd.s32 s13, v17;
	v61 =	vadd.s32 s13, v18;
	v37 =	vadd.f32 v48, v37;
	v48 =	vld.idx.msk [tilespmem:v56+s19+$0x0], $0xffff  }
0x12a: {  	v44 =	vadd.s32 v0, v44;
	v45 =	vmul.f32 v45, v32;
	v56 =	vadd.s32 v4, v60  }
0x12b: {  	v60 =	vadd.s32 v1, v61;
	v61 =	vadd.s32 v5, v35;
	v51 =	vmul.f32 v51, v32;
	v46 =	vld.idx.msk [tilespmem:v46+s17+$0x0], $0xffff  }
0x12c: {  	v53 =	vadd.s32 v6, v53;
	v55 =	vadd.s32 v3, v55;
	v37 =	vadd.f32 v45, v37;
	v35 =	vld [tilespmem:s2+$0xFFFFF000]  }
0x12d: {  	v38 =	vadd.f32 v47, v38;
	v45 =	vadd.s32 v2, v59;
	v54 =	vmul.f32 v54, v32;
	v57 =	vld.idx.msk [tilespmem:v57+s19+$0x0], $0xffff  }
0x12e: {  	v41 =	vadd.f32 v50, v41;
	v50 =	vmul.f32 v40, v32;
	v47 =	vmul.f32 v52, v32;
	v59 =	vld [tilespmem:s2+$0x0]  }
0x12f: {  	v39 =	vadd.f32 v58, v39;
	v52 =	vmul.f32 v48, v32;
	v40 =	vld.idx.msk [tilespmem:v44+s17+$0x0], $0xffff;
	v44 =	vadd.s32 s13, v28  }
0x130: {  	v42 =	vadd.f32 v51, v42;
	v48 =	vadd.s32 s13, v31;
	v32 =	vmul.f32 v36, v32;
	v58 =	vld.idx.msk [tilespmem:v56+s17+$0x0], $0xffff  }
0x131: {  	v39 =	vadd.f32 v54, v39;
	v36 =	vadd.s32 v6, v48;
	v53 =	vld.idx.msk [tilespmem:v53+s17+$0x0], $0xffff;
	v51 =	vmul.f32 v46, v35  }
0x132: {  	v38 =	vadd.f32 v50, v38;
	v44 =	vadd.s32 v2, v44;
	v48 =	vld.idx.msk [tilespmem:v45+s17+$0x0], $0xffff;
	v45 =	vadd.s32 s13, v30  }
0x133: {  	v41 =	vadd.f32 v47, v41;
	v46 =	vld.idx.msk [tilespmem:v55+s17+$0x0], $0xffff;
	v33 =	vadd.f32 v51, v33;
	v54 =	vmul.f32 v57, v59  }
.Ltmp3:
0x134: {  	v49 =	vadd.f32 v52, v49;
	v43 =	vadd.f32 v32, v43;
	v51 =	vadd.s32 v4, v45;
	v50 =	vld.idx.msk [tilespmem:v60+s17+$0x0], $0xffff;
	(pc) =	sbr.rel @p0 .LBB2_8-.Ltmp3, $4  }
0x135: {  	v32 =	vmov v59;
	v47 =	vld.idx.msk [tilespmem:v61+s17+$0x0], $0xffff;
	v33 =	vadd.f32 v54, v33  }
0x136: {  	v52 =	vadd.s32 s13, v27;
	v45 =	vadd.s32 s13, v26;
	v55 =	vadd.s32 s13, v34;
	v36 =	vld.idx.msk [tilespmem:v36+s19+$0x0], $0xffff  }
0x137: {  	v52 =	vadd.s32 v1, v52;
	v54 =	vadd.s32 v0, v45;
	v45 =	vld.idx.msk [tilespmem:v44+s19+$0x0], $0xffff;
	v44 =	vmul.f32 v53, v35  }
0x138: {  	v56 =	vadd.s32 s13, v29;
	v55 =	vadd.s32 v5, v55;
	v53 =	vmul.f32 v58, v35  }
0x139: {  	_ =	sdelay $0x3  }
0x13a: {  	v17 =	vadd.s32 v3, v56;
	v18 =	vld.idx.msk [tilespmem:v54+s19+$0x0], $0xffff;
	_ =	sdelay $0x1  }
0x13b: {  	v19 =	vld.idx.msk [tilespmem:v52+s19+$0x0], $0xffff  }
0x13c: {  	v20 =	vmul.f32 v40, v35;
	v23 =	vld.idx.msk [tilespmem:v51+s19+$0x0], $0xffff  }
0x13d: {  	v22 =	vmul.f32 v50, v35;
	v25 =	vld.idx.msk [tilespmem:v55+s19+$0x0], $0xffff  }
0x13e: {  	v21 =	vmul.f32 v48, v35;
	v20 =	vadd.f32 v20, v39;
	v17 =	vld.idx.msk [tilespmem:v17+s19+$0x0], $0xffff;
	v18 =	vmul.f32 v18, v32  }
0x13f: {  	v24 =	vmul.f32 v46, v35;
	v26 =	vmul.f32 v47, v35;
	v22 =	vadd.f32 v22, v41  }
0x140: {  	v21 =	vadd.f32 v21, v37;
	v19 =	vmul.f32 v19, v32;
	v18 =	vadd.f32 v18, v20  }
0x141: {  	v27 =	vmul.f32 v45, v32;
	v23 =	vmul.f32 v23, v32;
	v20 =	vadd.f32 v24, v49  }
0x142: {  	v19 =	vadd.f32 v19, v22;
	v24 =	vmul.f32 v25, v32;
	[tilespmem:$0x12D80] =	vst v18;
	v18 =	vadd.f32 v26, v38  }
0x143: {  	v21 =	vadd.f32 v27, v21;
	[tilespmem:$0x12DF0] =	vst v33;
	v22 =	vadd.f32 v53, v42;
	v17 =	vmul.f32 v17, v32  }
0x144: {  	[tilespmem:$0x12D90] =	vst v19;
	v19 =	vadd.f32 v44, v43;
	v18 =	vadd.f32 v24, v18  }
0x145: {  	[tilespmem:$0x12DA0] =	vst v21;
	v17 =	vadd.f32 v17, v20;
	v20 =	vadd.f32 v23, v22;
	v22 =	vmul.f32 v36, v32  }
0x146: {  	[tilespmem:$0x12DD0] =	vst v18  }
0x147: {  	[tilespmem:$0x12DB0] =	vst v17;
	v17 =	vadd.f32 v22, v19  }
0x148: {  	[tilespmem:$0x12DC0] =	vst v20  }
0x149: {  	[tilespmem:$0x12DE0] =	vst v17  }
0x14a: {  	_ =	swait.ge [sflag:s24], $0x4000  }
0x14b: {  	[sflag:s24] =	ssyncset.done $0x0  }
0x14c: {  	[sflag:s24] =	ssyncadd.s32 $0xFFFFC000  }
0x14d: {  	_ =	swait.ge [sflag:s25], $0x4000  }
0x14e: {  	[sflag:s25] =	ssyncset.done $0x0  }
0x14f: {  	[sflag:s25] =	ssyncadd.s32 $0xFFFFC000  }
0x150: {  	v17 =	vld [tilespmem:$0x980]  }
0x151: {  	v18 =	vld [tilespmem:$0x990]  }
0x152: {  	v19 =	vld [tilespmem:$0x9A0]  }
0x153: {  	v20 =	vld [tilespmem:$0x9B0]  }
0x154: {  	v21 =	vld [tilespmem:$0x9F0]  }
0x155: {  	v22 =	vld [tilespmem:$0x9C0]  }
0x156: {  	v23 =	vld [tilespmem:$0xBF0]  }
0x157: {  	v24 =	vld [tilespmem:$0x9D0]  }
0x158: {  	v25 =	vld [tilespmem:$0x9E0]  }
0x159: {  	v26 =	vld [tilespmem:$0xB80]  }
0x15a: {  	v27 =	vld [tilespmem:$0xB90]  }
0x15b: {  	s13 =	simm.s32 $0x0;
	v29 =	vld [tilespmem:$0xBB0]  }
0x15c: {  	s2 =	simm.s32 $0x11C00;
	v31 =	vld [tilespmem:$0xBE0];
	v28 =	vadd.s32 s13, v21  }
0x15d: {  	v35 =	vld [tilespmem:s2+$0xFFFFF000];
	v30 =	vadd.s32 s13, v23;
	v59 =	vadd.s32 v15, v28  }
0x15e: {  	v32 =	vld [tilespmem:s2+$0x0];
	v34 =	vadd.s32 s13, v17;
	v60 =	vadd.s32 v15, v30  }
0x15f: {  	v61 =	vadd.s32 s13, v22;
	v28 =	vld [tilespmem:$0xBA0];
	v62 =	vadd.s32 v8, v34  }
0x160: {  	v47 =	vadd.s32 s13, v25;
	v30 =	vld [tilespmem:$0xBC0];
	v48 =	vadd.s32 v12, v61  }
0x161: {  	v49 =	vadd.s32 s13, v19;
	v50 =	vadd.s32 v14, v47;
	v34 =	vld [tilespmem:$0xBD0]  }
0x162: {  	v51 =	vadd.s32 s13, v20;
	v52 =	vadd.s32 v10, v49;
	v63 =	vld.idx.msk [tilespmem:v59+s17+$0x0], $0xffff  }
0x163: {  	v53 =	vadd.s32 s13, v18;
	v40 =	vadd.s32 v11, v51;
	v33 =	vld.idx.msk [tilespmem:v60+s19+$0x0], $0xffff  }
0x164: {  	v54 =	vadd.s32 s13, v24;
	v55 =	vadd.s32 v9, v53;
	v41 =	vld.idx.msk [tilespmem:v62+s17+$0x0], $0xffff  }
0x165: {  	v57 =	vadd.s32 s13, v31;
	v56 =	vadd.s32 v13, v54;
	v38 =	vld.idx.msk [tilespmem:v48+s17+$0x0], $0xffff  }
0x166: {  	v43 =	vadd.s32 v14, v57;
	v39 =	vld.idx.msk [tilespmem:v50+s17+$0x0], $0xffff  }
0x167: {  	v58 =	vadd.s32 s13, v28;
	v48 =	vld.idx.msk [tilespmem:v52+s17+$0x0], $0xffff;
	v37 =	vmul.f32 v63, v35  }
0x168: {  	v61 =	vadd.s32 s13, v26;
	v45 =	vld.idx.msk [tilespmem:v40+s17+$0x0], $0xffff;
	v59 =	vadd.s32 v10, v58  }
0x169: {  	v53 =	vadd.s32 v8, v61;
	v49 =	vld.idx.msk [tilespmem:v55+s17+$0x0], $0xffff;
	v37 =	vadd.f32 v37, v16  }
0x16a: {  	v42 =	vmovc v16;
	v47 =	vmovc v16;
	v60 =	vadd.s32 s13, v30;
	v46 =	vld.idx.msk [tilespmem:v56+s17+$0x0], $0xffff;
	v62 =	vadd.s32 s13, v27;
	v55 =	vadd.s32 s13, v29  }
0x16b: {  	v36 =	vld.idx.msk [tilespmem:v43+s19+$0x0], $0xffff;
	v50 =	vadd.s32 v12, v60;
	v51 =	vadd.s32 v9, v62;
	v33 =	vmul.f32 v33, v32  }
0x16c: {  	v40 =	vmovc v16;
	v63 =	vadd.s32 s13, v34;
	v43 =	vmul.f32 v39, v35;
	v52 =	vmul.f32 v38, v35;
	v38 =	vmovc v16  }
0x16d: {  	s12 =	simm.s32 $0x1;
	v39 =	vmovc v16;
	v44 =	vld.idx.msk [tilespmem:v59+s19+$0x0], $0xffff;
	v54 =	vadd.s32 v13, v63;
	v33 =	vadd.f32 v33, v37;
	v37 =	vmov v16  }
.LBB2_10:
0x16e: {  	p0 =	sne.s32 s12, $0x1F  }
0x16f: {  	v56 =	vadd.s32 s12, v23;
	v48 =	vmul.f32 v48, v35;
	v55 =	vadd.s32 v11, v55;
	s2 =	sadd.s32 $0x80, s2;
	s13 =	smov.u32 s12;
	s12 =	sadd.s32 $0x1, s12  }
0x170: {  	v57 =	vmul.f32 v41, v35;
	v41 =	vmul.f32 v45, v35;
	v56 =	vadd.s32 v15, v56  }
0x171: {  	v49 =	vmul.f32 v49, v35;
	v45 =	vadd.s32 s13, v21;
	v16 =	vadd.f32 v52, v16;
	v50 =	vld.idx.msk [tilespmem:v50+s19+$0x0], $0xffff  }
0x172: {  	v52 =	vadd.s32 s13, v25;
	v46 =	vmul.f32 v46, v35;
	v45 =	vadd.s32 v15, v45;
	v53 =	vld.idx.msk [tilespmem:v53+s19+$0x0], $0xffff  }
0x173: {  	v58 =	vadd.s32 s13, v19;
	v35 =	vadd.s32 s13, v24;
	v47 =	vadd.f32 v41, v47;
	v41 =	vld.idx.msk [tilespmem:v54+s19+$0x0], $0xffff  }
0x174: {  	v42 =	vadd.f32 v43, v42;
	v59 =	vadd.s32 s13, v22;
	v54 =	vadd.s32 s13, v20;
	v51 =	vld.idx.msk [tilespmem:v51+s19+$0x0], $0xffff  }
0x175: {  	v43 =	vadd.s32 s13, v17;
	v60 =	vadd.s32 s13, v18;
	v37 =	vadd.f32 v48, v37;
	v48 =	vld.idx.msk [tilespmem:v55+s19+$0x0], $0xffff  }
0x176: {  	v43 =	vadd.s32 v8, v43;
	v44 =	vmul.f32 v44, v32;
	v55 =	vadd.s32 v12, v59  }
0x177: {  	v59 =	vadd.s32 v9, v60;
	v60 =	vadd.s32 v13, v35;
	v50 =	vmul.f32 v50, v32;
	v45 =	vld.idx.msk [tilespmem:v45+s17+$0x0], $0xffff  }
0x178: {  	v52 =	vadd.s32 v14, v52;
	v54 =	vadd.s32 v11, v54;
	v37 =	vadd.f32 v44, v37;
	v35 =	vld [tilespmem:s2+$0xFFFFF000]  }
0x179: {  	v38 =	vadd.f32 v46, v38;
	v44 =	vadd.s32 v10, v58;
	v53 =	vmul.f32 v53, v32;
	v56 =	vld.idx.msk [tilespmem:v56+s19+$0x0], $0xffff  }
0x17a: {  	v40 =	vadd.f32 v49, v40;
	v49 =	vmul.f32 v41, v32;
	v46 =	vmul.f32 v51, v32;
	v58 =	vld [tilespmem:s2+$0x0]  }
0x17b: {  	v39 =	vadd.f32 v57, v39;
	v51 =	vmul.f32 v48, v32;
	v41 =	vld.idx.msk [tilespmem:v43+s17+$0x0], $0xffff;
	v43 =	vadd.s32 s13, v28  }
0x17c: {  	v16 =	vadd.f32 v50, v16;
	v48 =	vadd.s32 s13, v31;
	v32 =	vmul.f32 v36, v32;
	v57 =	vld.idx.msk [tilespmem:v55+s17+$0x0], $0xffff  }
0x17d: {  	v39 =	vadd.f32 v53, v39;
	v36 =	vadd.s32 v14, v48;
	v52 =	vld.idx.msk [tilespmem:v52+s17+$0x0], $0xffff;
	v50 =	vmul.f32 v45, v35  }
0x17e: {  	v38 =	vadd.f32 v49, v38;
	v43 =	vadd.s32 v10, v43;
	v48 =	vld.idx.msk [tilespmem:v44+s17+$0x0], $0xffff;
	v44 =	vadd.s32 s13, v30  }
0x17f: {  	v40 =	vadd.f32 v46, v40;
	v45 =	vld.idx.msk [tilespmem:v54+s17+$0x0], $0xffff;
	v33 =	vadd.f32 v50, v33;
	v53 =	vmul.f32 v56, v58  }
.Ltmp4:
0x180: {  	v47 =	vadd.f32 v51, v47;
	v42 =	vadd.f32 v32, v42;
	v50 =	vadd.s32 v12, v44;
	v49 =	vld.idx.msk [tilespmem:v59+s17+$0x0], $0xffff;
	(pc) =	sbr.rel @p0 .LBB2_10-.Ltmp4, $4  }
0x181: {  	v32 =	vmov v58;
	v46 =	vld.idx.msk [tilespmem:v60+s17+$0x0], $0xffff;
	v33 =	vadd.f32 v53, v33  }
0x182: {  	v51 =	vadd.s32 s13, v27;
	v44 =	vadd.s32 s13, v26;
	v54 =	vadd.s32 s13, v34;
	v36 =	vld.idx.msk [tilespmem:v36+s19+$0x0], $0xffff  }
0x183: {  	v51 =	vadd.s32 v9, v51;
	v53 =	vadd.s32 v8, v44;
	v44 =	vld.idx.msk [tilespmem:v43+s19+$0x0], $0xffff;
	v43 =	vmul.f32 v52, v35  }
0x184: {  	v55 =	vadd.s32 s13, v29;
	v54 =	vadd.s32 v13, v54;
	v52 =	vmul.f32 v57, v35  }
0x185: {  	_ =	sdelay $0x1  }
0x186: {  	v17 =	vadd.s32 v11, v55;
	_ =	sdelay $0x1  }
0x187: {  	v18 =	vld.idx.msk [tilespmem:v53+s19+$0x0], $0xffff  }
0x188: {  	v19 =	vld.idx.msk [tilespmem:v51+s19+$0x0], $0xffff  }
0x189: {  	v21 =	vmul.f32 v48, v35;
	v23 =	vld.idx.msk [tilespmem:v50+s19+$0x0], $0xffff  }
0x18a: {  	v20 =	vmul.f32 v41, v35;
	v22 =	vmul.f32 v49, v35;
	v17 =	vld.idx.msk [tilespmem:v17+s19+$0x0], $0xffff  }
0x18b: {  	v24 =	vmul.f32 v45, v35;
	v25 =	vld.idx.msk [tilespmem:v54+s19+$0x0], $0xffff;
	v21 =	vadd.f32 v21, v37;
	v27 =	vmul.f32 v44, v32  }
0x18c: {  	v26 =	vmul.f32 v46, v35;
	v20 =	vadd.f32 v20, v39;
	v18 =	vmul.f32 v18, v32  }
0x18d: {  	v22 =	vadd.f32 v22, v40;
	v19 =	vmul.f32 v19, v32;
	v21 =	vadd.f32 v27, v21  }
0x18e: {  	v16 =	vadd.f32 v52, v16;
	v59 =	vmul.f32 v23, v32;
	[tilespmem:$0x12E70] =	vst v33;
	v18 =	vadd.f32 v18, v20  }
0x18f: {  	v58 =	vadd.f32 v24, v47;
	v19 =	vadd.f32 v19, v22;
	[tilespmem:$0x12E20] =	vst v21;
	v17 =	vmul.f32 v17, v32  }
0x190: {  	v60 =	vadd.f32 v26, v38;
	v61 =	vmul.f32 v25, v32;
	v16 =	vadd.f32 v59, v16;
	[tilespmem:$0x12E00] =	vst v18  }
0x191: {  	v62 =	vadd.f32 v43, v42;
	v63 =	vmul.f32 v36, v32;
	[tilespmem:$0x12E10] =	vst v19;
	v17 =	vadd.f32 v17, v58  }
0x192: {  	v18 =	vadd.f32 v61, v60;
	[tilespmem:$0x12E40] =	vst v16  }
0x193: {  	s0 =	sadd.s32 $0x1, s0;
	[tilespmem:$0x12E30] =	vst v17;
	v17 =	vadd.f32 v63, v62  }
0x194: {  	p0 =	sne.s32 s0, s10;
	[tilespmem:$0x12E50] =	vst v18  }
.Ltmp5:
0x195: {  	[tilespmem:$0x12E60] =	vst v17;
	(pc) =	sbr.rel @p0 .LBB2_1-.Ltmp5, $4  }
0x196: {  	[hbm4b:s9+s1] =	stream.linear.scatter [tilespmem:s31], [sflag:$0x3], $0x200, $0x38;
	[tilespmem:$0x12E80] =	vst v63  }
0x197: {  	_ =	swait.ge [sflag:s11], $0x200  }
0x198: {  	[sflag:s11] =	ssyncset.done $0x0  }
0x199: {  	[sflag:s11] =	ssyncadd.s32 $0xFFFFFE00  }
0x19a: {  	_ =	sfence.sel $0x180000  }
0x19b: {  	[bflag:$0x0] =	sbarrier.arrive $0xFFFF  }
0x19c: {  	_ =	strace $0x90000047  }
0x19d: {  	s0 =	stileid.u32;
	[bflag:$0x2] =	sbarrier.arrive $0xFFFF  }
0x19e: {  	p0 =	sne.s32 s0, $0x0;
	s0 =	rddreg [dreg:$0x4]  }
0x19f: {  	s0 =	sadd.s32 @!p0 $0x100000, s0  }
0x1a0: {  	[sflag:s0] =	ssyncadd.tile.s32 @!p0 $0x1;
	_ =	shalt  }
.Lfunc_end2:
_tile_overlayer_lowered:
.L_overlay_start_2:
0x1a1: {  	(tag) =	ssettag $0x2  }
0x1a2: {  	s0 =	rddreg [dreg:$0x0];
	s2 =	stileid.u32  }
0x1a3: {  	s1 =	rddreg [dreg:$0x1];
	p0 =	sne.s32 s2, $0x0  }
0x1a4: {  	s3 =	rddreg [dreg:$0x2];
	[bflag:$0x3] =	sbarrier.arrive $0xFFFF;
	s2 =	simm.s32 @!p0 $0x1C03  }
0x1a5: {  	[timem:s3], [sflag:s2] =	dma.local @!p0 [hbm:s0], s1  }
0x1a6: {  	s0 =	simm.s32 @!p0 $0x3  }
0x1a7: {  	_ =	swait.ge @!p0 [sflag:s0], s1  }
0x1a8: {  	s1 =	ssub.s32 @!p0 $0x0, s1;
	[sflag:s0] =	ssyncset.done @!p0 $0x0  }
0x1a9: {  	[sflag:s0] =	ssyncadd.s32 @!p0 s1  }
0x1aa: {  	[bflag:$0x3] =	sbarrier.arrive $0xFFFF  }
0x1ab: {  	_ =	shalt  }

</sc_bundles>
